<compile_context>
chip_gen: v7x
topology: tpu7x:2x2x1
jax: 0.10.2.dev20260603
libtpu: 0.0.44.dev20260713+nightly
codegen_flags: <defaults>
</compile_context>

<pallas_src>
import functools

import jax
import jax.numpy as jnp
from jax import lax
from jax.experimental import pallas as pl
from jax.experimental.pallas import tpu as pltpu
from jax.experimental.pallas import tpu_sc as plsc

T = 4
N_T = 1024
E = 65536
L = 2
H = 16

_N_TILES = 32
_TILES_PER_T = _N_TILES // T
_E_PER_TILE = E // _TILES_PER_T
_GROUPS = _E_PER_TILE // 16
_ACC = 10 * N_T


def _sc_edge_body(x0_hbm, x1_hbm, src_hbm, dst_hbm, ea0_hbm, ea1_hbm, wq_hbm,
                  wk_hbm, we_hbm, bq_hbm, bk_hbm, out_hbm, x0_v, x1_v, wq_v,
                  wk_v, we_v, bq_v, bk_v, acc_v, src_v, dst_v, ea0_v, ea1_v):
    cid = lax.axis_index("c")
    sid = lax.axis_index("s")
    wid = sid * 2 + cid
    t = wid // _TILES_PER_T
    s = wid % _TILES_PER_T

    pltpu.sync_copy(x0_hbm, x0_v)
    pltpu.sync_copy(x1_hbm, x1_v)
    pltpu.sync_copy(wq_hbm, wq_v)
    pltpu.sync_copy(wk_hbm, wk_v)
    pltpu.sync_copy(we_hbm, we_v)
    pltpu.sync_copy(bq_hbm, bq_v)
    pltpu.sync_copy(bk_hbm, bk_v)
    pltpu.sync_copy(src_hbm.at[t, pl.ds(s * _E_PER_TILE, _E_PER_TILE)], src_v)
    pltpu.sync_copy(dst_hbm.at[t, pl.ds(s * _E_PER_TILE, _E_PER_TILE)], dst_v)
    pltpu.sync_copy(ea0_hbm.at[t, pl.ds(s * _E_PER_TILE, _E_PER_TILE)], ea0_v)
    pltpu.sync_copy(ea1_hbm.at[t, pl.ds(s * _E_PER_TILE, _E_PER_TILE)], ea1_v)

    scale = 0.25

    def dot16(a, b):
        return jnp.sum(a * b) * scale

    cof = []
    for l in range(L):
        wq0 = wq_v[pl.ds(l * 128 + t * 32, 16)]
        wq1 = wq_v[pl.ds(l * 128 + t * 32 + 16, 16)]
        bq = bq_v[pl.ds(l * 64 + t * 16, 16)]
        bk = bk_v[pl.ds(l * 64 + t * 16, 16)]
        slots = []
        for (wsrc, rows) in ((wk_v, 2), (we_v, 2)):
            for e in range(rows):
                we_row = wsrc[pl.ds(l * 128 + t * 32 + e * 16, 16)]
                slots.append((dot16(wq0, we_row), dot16(wq1, we_row),
                              dot16(bq, we_row)))
        slots.append((dot16(wq0, bk), dot16(wq1, bk), dot16(bq, bk)))
        cof.append(slots)

    xbase = t * N_T
    zero = jnp.zeros((16,), jnp.float32)

    def z_body(i, carry):
        acc_v[pl.ds(i * 16, 16)] = zero
        return carry

    lax.fori_loop(0, _ACC // 16, z_body, 0)

    def one_group(b):
        srci = src_v[pl.ds(b, 16)]
        dsti = dst_v[pl.ds(b, 16)]
        xs0 = plsc.load_gather(x0_v, [srci])
        xs1 = plsc.load_gather(x1_v, [srci])
        di = xbase + dsti
        xd0 = plsc.load_gather(x0_v, [di])
        xd1 = plsc.load_gather(x1_v, [di])
        ea0 = ea0_v[pl.ds(b, 16)]
        ea1 = ea1_v[pl.ds(b, 16)]
        exs = []
        for l in range(L):
            u0, u1, w0, w1, s0 = [xd0 * m0 + (xd1 * m1 + c)
                                  for (m0, m1, c) in cof[l]]
            exs.append(jnp.exp((u0 * xs0 + u1 * xs1)
                               + ((w0 * ea0 + w1 * ea1) + s0)))
        for l in range(L):
            ex = exs[l]
            o = l * 5 * N_T
            plsc.addupdate_scatter(acc_v.at[pl.ds(o, N_T)], [dsti], ex)
            plsc.addupdate_scatter(acc_v.at[pl.ds(o + N_T, N_T)], [dsti],
                                   ex * xs0)
            plsc.addupdate_scatter(acc_v.at[pl.ds(o + 2 * N_T, N_T)], [dsti],
                                   ex * xs1)
            plsc.addupdate_scatter(acc_v.at[pl.ds(o + 3 * N_T, N_T)], [dsti],
                                   ex * ea0)
            plsc.addupdate_scatter(acc_v.at[pl.ds(o + 4 * N_T, N_T)], [dsti],
                                   ex * ea1)

    _UNROLL = 4

    def e_body(g, carry):
        b = g * (16 * _UNROLL)
        for u in range(_UNROLL):
            one_group(b + u * 16)
        return carry

    lax.fori_loop(0, _GROUPS // _UNROLL, e_body, 0)

    pltpu.sync_copy(acc_v, out_hbm.at[wid])


@jax.jit
def _sc_edge(x0, x1, src, dst, ea0, ea1, wq, wk, we, bq, bk):
    mesh = plsc.VectorSubcoreMesh(core_axis_name="c", subcore_axis_name="s")
    return pl.kernel(
        _sc_edge_body,
        out_type=jax.ShapeDtypeStruct((_N_TILES, _ACC), jnp.float32),
        mesh=mesh,
        scratch_types=[
            pltpu.VMEM((T * N_T,), jnp.float32),
            pltpu.VMEM((T * N_T,), jnp.float32),
            pltpu.VMEM((L * T * 32,), jnp.float32),
            pltpu.VMEM((L * T * 32,), jnp.float32),
            pltpu.VMEM((L * T * 32,), jnp.float32),
            pltpu.VMEM((L * T * 16,), jnp.float32),
            pltpu.VMEM((L * T * 16,), jnp.float32),
            pltpu.VMEM((_ACC,), jnp.float32),
            pltpu.VMEM((_E_PER_TILE,), jnp.int32),
            pltpu.VMEM((_E_PER_TILE,), jnp.int32),
            pltpu.VMEM((_E_PER_TILE,), jnp.float32),
            pltpu.VMEM((_E_PER_TILE,), jnp.float32),
        ],
        compiler_params=pltpu.CompilerParams(needs_layout_passes=False),
    )(x0, x1, src, dst, ea0, ea1, wq, wk, we, bq, bk)


def _fin_body(part_ref, x0_ref, x1_ref, wv_ref, we_ref, ws_ref, bv_ref,
              bs_ref, out_ref):
    part = part_ref[...]
    xd0 = x0_ref[...].reshape(T, N_T)
    xd1 = x1_ref[...].reshape(T, N_T)

    def tot(k):
        sl = part[:, k * N_T:(k + 1) * N_T].reshape(T, _TILES_PER_T, N_T)
        return jnp.sum(sl, axis=1)

    for l in range(L):
        o = l * 5
        den = tot(o)
        r = 1.0 / (den + 1e-16)
        mh0 = tot(o + 1) * r
        mh1 = tot(o + 2) * r
        nh0 = tot(o + 3) * r
        nh1 = tot(o + 4) * r
        sa = den * r
        for pq in range(2):
            lo, hi = pq * (H // 2), pq * (H // 2) + H // 2

            def half(ref, j):
                return jnp.sum(ref[l, :, j, lo:hi], axis=-1)[:, None]

            def halfb(ref):
                return jnp.sum(ref[l, :, lo:hi], axis=-1)[:, None]

            val = (mh0 * half(wv_ref, 0) + mh1 * half(wv_ref, 1)
                   + nh0 * half(we_ref, 0) + nh1 * half(we_ref, 1)
                   + sa * halfb(bv_ref)
                   + xd0 * half(ws_ref, 0) + xd1 * half(ws_ref, 1)
                   + halfb(bs_ref))
            out_ref[:, l, pq] = val


@jax.jit
def _finalize(part, x0, x1, Wv, We, Ws, bv, bs):
    return pl.pallas_call(
        _fin_body,
        out_shape=jax.ShapeDtypeStruct((T, L, 2, N_T), jnp.float32),
    )(part, x0, x1, Wv, We, Ws, bv, bs)


def _mv_body(f_ref, w_ref, b_ref, out_ref):
    out_ref[0] = (
        jnp.dot(f_ref[0], w_ref[0], preferred_element_type=jnp.float32)
        + b_ref[0]
    )


@jax.jit
def _matvec(flat, fcW, fcb):
    k = L * N_T * 2
    n = N_T * 2
    cb = 512
    out = pl.pallas_call(
        _mv_body,
        grid=(T, n // cb),
        in_specs=[
            pl.BlockSpec((1, 1, k), lambda t, c: (t, 0, 0)),
            pl.BlockSpec((1, k, cb), lambda t, c: (t, 0, c)),
            pl.BlockSpec((1, 1, cb), lambda t, c: (t, 0, c)),
        ],
        out_specs=pl.BlockSpec((1, 1, cb), lambda t, c: (t, 0, c)),
        out_shape=jax.ShapeDtypeStruct((T, 1, n), jnp.float32),
    )(flat.reshape(T, 1, k), fcW, fcb.reshape(T, 1, n))
    return out.reshape(T, n)


def kernel(x, edge_src, edge_dst, edge_attr, Wq, Wk, Wv, We, Ws,
           bq, bk, bv, bs, fcW, fcb):
    x0 = x[:, 0].astype(jnp.float32)
    x1 = x[:, 1].astype(jnp.float32)
    src = edge_src.astype(jnp.int32)
    dst = edge_dst.astype(jnp.int32)
    ea0 = edge_attr[:, :, 0].astype(jnp.float32)
    ea1 = edge_attr[:, :, 1].astype(jnp.float32)

    part = _sc_edge(x0, x1, src, dst, ea0, ea1,
                    Wq.reshape(-1).astype(jnp.float32),
                    Wk.reshape(-1).astype(jnp.float32),
                    We.reshape(-1).astype(jnp.float32),
                    bq.reshape(-1).astype(jnp.float32),
                    bk.reshape(-1).astype(jnp.float32))

    pqv = _finalize(part, x0, x1, Wv, We, Ws, bv, bs)
    flat = pqv.transpose(0, 1, 3, 2).reshape(T, L * N_T * 2)
    out = _matvec(flat, fcW, fcb)
    return out.reshape(T, N_T, 2)

# --- scband reference (transcript-rebuilt; emitter-appended) ---
"""Pipeline reference for scband-acopfembedder-bus-39694087749649 (READ-ONLY COPY).

The authoritative reference and input builder live on the scoring server;
editing this copy changes nothing except your own understanding.
"""

import jax, jax.numpy as jnp
import numpy as np

T = 4
N_T = 1024
E = 65536
L = 2
H = 16
D_IN = 2


def setup_inputs(seed: int = 0):
    key = jax.random.key(seed)
    ks = jax.random.split(key, 20)
    inp = {}
    inp['x'] = jax.random.normal(ks[0], (T * N_T, D_IN), dtype=jnp.float32)
    inp['edge_src'] = jax.random.randint(ks[1], (T, E), 0, T * N_T)
    inp['edge_dst'] = jax.random.randint(ks[2], (T, E), 0, N_T)
    inp['edge_attr'] = jax.random.normal(ks[3], (T, E, 2), dtype=jnp.float32)
    inp['Wq'] = jax.random.normal(ks[4], (L, T, D_IN, H), dtype=jnp.float32) * 0.1
    inp['Wk'] = jax.random.normal(ks[5], (L, T, D_IN, H), dtype=jnp.float32) * 0.1
    inp['Wv'] = jax.random.normal(ks[6], (L, T, D_IN, H), dtype=jnp.float32) * 0.1
    inp['We'] = jax.random.normal(ks[7], (L, T, 2, H), dtype=jnp.float32) * 0.1
    inp['Ws'] = jax.random.normal(ks[8], (L, T, D_IN, H), dtype=jnp.float32) * 0.1
    inp['bq'] = jnp.zeros((L, T, H), dtype=jnp.float32)
    inp['bk'] = jnp.zeros((L, T, H), dtype=jnp.float32)
    inp['bv'] = jnp.zeros((L, T, H), dtype=jnp.float32)
    inp['bs'] = jnp.zeros((L, T, H), dtype=jnp.float32)
    inp['fcW'] = jax.random.normal(ks[9], (T, L * N_T * 2, N_T * 2), dtype=jnp.float32) * 0.01
    inp['fcb'] = jnp.zeros((T, N_T * 2), dtype=jnp.float32)
    return inp


def _forward(x, edge_attr, Wq, Wk, Wv, We, Ws, bq, bk, bv, bs, fcW, fcb, edge_src, edge_dst):
    # Flattened heterogeneous TransformerConv stack + group() + per-type fc,
    # faithful to ACOPFEmbedder_Bus.forward (x_dict is NOT updated across layers;
    # each layer consumes the raw inputs, outputs are accumulated into out_dict).
    scale = 1.0 / jnp.sqrt(jnp.float32(H))
    results = []
    for t in range(T):
        x_dst = x[t * N_T:(t + 1) * N_T]  # x_dict[from_bus]
        src = edge_src[t]
        dst = edge_dst[t]
        ea = edge_attr[t]
        x_src = x[src]  # gathered neighbor features (the stacked to_xs)
        outs = []
        for l in range(L):
            q = x_dst @ Wq[l, t] + bq[l, t]          # [N_T, H]
            k = x_src @ Wk[l, t] + bk[l, t]          # [E, H]
            v = x_src @ Wv[l, t] + bv[l, t]          # [E, H]
            e = ea @ We[l, t]                         # [E, H] (lin_edge, no bias)
            k = k + e
            v = v + e
            alpha = jnp.sum(q[dst] * k, axis=-1) * scale  # per-edge score
            amax = jax.ops.segment_max(alpha, dst, num_segments=N_T)
            ex = jnp.exp(alpha - amax[dst])
            denom = jax.ops.segment_sum(ex, dst, num_segments=N_T)
            attn = ex / (denom[dst] + 1e-16)
            agg = jax.ops.segment_sum(v * attn[:, None], dst, num_segments=N_T)
            out = agg + x_dst @ Ws[l, t] + bs[l, t]  # root/skip connection
            outs.append(out)
        # group(): concat layer outputs, split channels into P/Q halves, sum-aggregate
        cat = jnp.concatenate(outs, axis=0)  # [L*N_T, H]
        half = H // 2
        P_i = jnp.sum(cat[:, :half], axis=1)
        Q_i = jnp.sum(cat[:, half:], axis=1)
        val = jnp.concatenate([P_i[:, None], Q_i[:, None]], axis=1)  # [L*N_T, 2]
        flat = val.reshape(-1)  # [L*N_T*2]
        out_t = flat @ fcW[t] + fcb[t]  # [N_T*2]
        results.append(out_t.reshape(N_T, 2))
    return jnp.stack(results, axis=0)  # [T, N_T, 2]


def reference(x, edge_src, edge_dst, edge_attr, Wq, Wk, Wv, We, Ws, bq, bk, bv, bs, fcW, fcb):
    return _forward(x, edge_attr, Wq, Wk, Wv, We, Ws, bq, bk, bv, bs, fcW, fcb, edge_src, edge_dst)

if __name__ == "__main__":
    import jax
    _d = setup_inputs()
    print(jax.jit(kernel)(*tuple(_d.values())))

</pallas_src>

<mosaic_0001>
#map = affine_map<(d0, d1) -> (0)>
#map1 = affine_map<(d0, d1) -> (0, 0)>
module attributes {stable_mosaic.version = 14 : i64} {
  func.func @_sc_edge_body(%arg0: i32, %arg1: i32, %arg2: memref<4096xf32, #tpu.memory_space<hbm>>, %arg3: memref<4096xf32, #tpu.memory_space<hbm>>, %arg4: memref<4x65536xi32, #tpu.memory_space<hbm>>, %arg5: memref<4x65536xi32, #tpu.memory_space<hbm>>, %arg6: memref<4x65536xf32, #tpu.memory_space<hbm>>, %arg7: memref<4x65536xf32, #tpu.memory_space<hbm>>, %arg8: memref<256xf32, #tpu.memory_space<hbm>>, %arg9: memref<256xf32, #tpu.memory_space<hbm>>, %arg10: memref<256xf32, #tpu.memory_space<hbm>>, %arg11: memref<128xf32, #tpu.memory_space<hbm>>, %arg12: memref<128xf32, #tpu.memory_space<hbm>>, %arg13: memref<32x10240xf32, #tpu.memory_space<hbm>>, %arg14: memref<4096xf32, #tpu.memory_space<vmem>>, %arg15: memref<4096xf32, #tpu.memory_space<vmem>>, %arg16: memref<256xf32, #tpu.memory_space<vmem>>, %arg17: memref<256xf32, #tpu.memory_space<vmem>>, %arg18: memref<256xf32, #tpu.memory_space<vmem>>, %arg19: memref<128xf32, #tpu.memory_space<vmem>>, %arg20: memref<128xf32, #tpu.memory_space<vmem>>, %arg21: memref<10240xf32, #tpu.memory_space<vmem>>, %arg22: memref<8192xi32, #tpu.memory_space<vmem>>, %arg23: memref<8192xi32, #tpu.memory_space<vmem>>, %arg24: memref<8192xf32, #tpu.memory_space<vmem>>, %arg25: memref<8192xf32, #tpu.memory_space<vmem>>) attributes {dimension_semantics = [#tpu.dimension_semantics<core_parallel>, #tpu.dimension_semantics<subcore_parallel>], iteration_bounds = array<i64: 2, 16>, scalar_prefetch = 0 : i64, scratch_operands = 12 : i64, tpu.core_type = #tpu.core_type<sc_vector_subcore>, window_params = [{transform_indices = #map}, {transform_indices = #map}, {transform_indices = #map1}, {transform_indices = #map1}, {transform_indices = #map1}, {transform_indices = #map1}, {transform_indices = #map}, {transform_indices = #map}, {transform_indices = #map}, {transform_indices = #map}, {transform_indices = #map}, {transform_indices = #map1}]} {
    %mul3A = arith.constant 2 : i32
    %mul3A_0 = arith.muli %arg1, %mul3A : i32
    %add3A = arith.addi %mul3A_0, %arg0 : i32
    %jit3A = arith.constant 8 : i32
    %div3A = arith.divsi %add3A, %jit3A : i32
    %sign3A = arith.constant 0 : i32
    %sign3A_1 = arith.cmpi sgt, %add3A, %sign3A : i32
    %sign3A_2 = arith.extui %sign3A_1 : i1 to i32
    %sign3A_3 = arith.constant 0 : i32
    %sign3A_4 = arith.cmpi slt, %add3A, %sign3A_3 : i32
    %sign3A_5 = arith.extui %sign3A_4 : i1 to i32
    %sign3A_6 = arith.subi %sign3A_2, %sign3A_5 : i32
    %sign3A_7 = arith.constant 0 : i32
    %sign3A_8 = arith.cmpi sgt, %jit3A, %sign3A_7 : i32
    %sign3A_9 = arith.extui %sign3A_8 : i1 to i32
    %sign3A_10 = arith.constant 0 : i32
    %sign3A_11 = arith.cmpi slt, %jit3A, %sign3A_10 : i32
    %sign3A_12 = arith.extui %sign3A_11 : i1 to i32
    %sign3A_13 = arith.subi %sign3A_9, %sign3A_12 : i32
    %ne3A = arith.cmpi ne, %sign3A_6, %sign3A_13 : i32
    %rem3A = arith.remsi %add3A, %jit3A : i32
    %ne3A_14 = arith.constant 0 : i32
    %ne3A_15 = arith.cmpi ne, %rem3A, %ne3A_14 : i32
    %and3A = arith.andi %ne3A, %ne3A_15 : i1
    %sub3A = arith.constant 1 : i32
    %sub3A_16 = arith.subi %div3A, %sub3A : i32
    %select_n3A = arith.select %and3A, %sub3A_16, %div3A : i32
    %jit3A_17 = arith.constant 8 : i32
    %eq3A = arith.constant 0 : i32
    %eq3A_18 = arith.cmpi eq, %jit3A_17, %eq3A : i32
    %jit3A_19 = arith.constant 1 : i32
    %select_n3A_20 = arith.select %eq3A_18, %jit3A_19, %jit3A_17 : i32
    %rem3A_21 = arith.remsi %add3A, %select_n3A_20 : i32
    %ne3A_22 = arith.constant 0 : i32
    %ne3A_23 = arith.cmpi ne, %rem3A_21, %ne3A_22 : i32
    %lt3A = arith.constant 0 : i32
    %lt3A_24 = arith.cmpi slt, %rem3A_21, %lt3A : i32
    %lt3A_25 = arith.constant 0 : i32
    %lt3A_26 = arith.cmpi slt, %select_n3A_20, %lt3A_25 : i32
    %ne3A_27 = arith.xori %lt3A_24, %lt3A_26 : i1
    %and3A_28 = arith.andi %ne3A_27, %ne3A_23 : i1
    %add3A_29 = arith.addi %rem3A_21, %select_n3A_20 : i32
    %select_n3A_30 = arith.select %and3A_28, %add3A_29, %rem3A_21 : i32
    "tpu.region"() ({
      %run_scoped3A = tpu.sem_alloc : memref<!tpu.dma_semaphore, #tpu.memory_space<semaphore_mem>>
      tpu.enqueue_dma source(%arg2 : memref<4096xf32, #tpu.memory_space<hbm>>) target(%arg14 : memref<4096xf32, #tpu.memory_space<vmem>>) target_semaphore(%run_scoped3A : memref<!tpu.dma_semaphore, #tpu.memory_space<semaphore_mem>>)
      tpu.wait_dma2 semaphore(%run_scoped3A : memref<!tpu.dma_semaphore, #tpu.memory_space<semaphore_mem>>) src(%arg2 : memref<4096xf32, #tpu.memory_space<hbm>>) dst(%arg14 : memref<4096xf32, #tpu.memory_space<vmem>>)
      tpu.yield
    }) : () -> ()
    "tpu.region"() ({
      %run_scoped3A = tpu.sem_alloc : memref<!tpu.dma_semaphore, #tpu.memory_space<semaphore_mem>>
      tpu.enqueue_dma source(%arg3 : memref<4096xf32, #tpu.memory_space<hbm>>) target(%arg15 : memref<4096xf32, #tpu.memory_space<vmem>>) target_semaphore(%run_scoped3A : memref<!tpu.dma_semaphore, #tpu.memory_space<semaphore_mem>>)
      tpu.wait_dma2 semaphore(%run_scoped3A : memref<!tpu.dma_semaphore, #tpu.memory_space<semaphore_mem>>) src(%arg3 : memref<4096xf32, #tpu.memory_space<hbm>>) dst(%arg15 : memref<4096xf32, #tpu.memory_space<vmem>>)
      tpu.yield
    }) : () -> ()
    "tpu.region"() ({
      %run_scoped3A = tpu.sem_alloc : memref<!tpu.dma_semaphore, #tpu.memory_space<semaphore_mem>>
      tpu.enqueue_dma source(%arg8 : memref<256xf32, #tpu.memory_space<hbm>>) target(%arg16 : memref<256xf32, #tpu.memory_space<vmem>>) target_semaphore(%run_scoped3A : memref<!tpu.dma_semaphore, #tpu.memory_space<semaphore_mem>>)
      tpu.wait_dma2 semaphore(%run_scoped3A : memref<!tpu.dma_semaphore, #tpu.memory_space<semaphore_mem>>) src(%arg8 : memref<256xf32, #tpu.memory_space<hbm>>) dst(%arg16 : memref<256xf32, #tpu.memory_space<vmem>>)
      tpu.yield
    }) : () -> ()
    "tpu.region"() ({
      %run_scoped3A = tpu.sem_alloc : memref<!tpu.dma_semaphore, #tpu.memory_space<semaphore_mem>>
      tpu.enqueue_dma source(%arg9 : memref<256xf32, #tpu.memory_space<hbm>>) target(%arg17 : memref<256xf32, #tpu.memory_space<vmem>>) target_semaphore(%run_scoped3A : memref<!tpu.dma_semaphore, #tpu.memory_space<semaphore_mem>>)
      tpu.wait_dma2 semaphore(%run_scoped3A : memref<!tpu.dma_semaphore, #tpu.memory_space<semaphore_mem>>) src(%arg9 : memref<256xf32, #tpu.memory_space<hbm>>) dst(%arg17 : memref<256xf32, #tpu.memory_space<vmem>>)
      tpu.yield
    }) : () -> ()
    "tpu.region"() ({
      %run_scoped3A = tpu.sem_alloc : memref<!tpu.dma_semaphore, #tpu.memory_space<semaphore_mem>>
      tpu.enqueue_dma source(%arg10 : memref<256xf32, #tpu.memory_space<hbm>>) target(%arg18 : memref<256xf32, #tpu.memory_space<vmem>>) target_semaphore(%run_scoped3A : memref<!tpu.dma_semaphore, #tpu.memory_space<semaphore_mem>>)
      tpu.wait_dma2 semaphore(%run_scoped3A : memref<!tpu.dma_semaphore, #tpu.memory_space<semaphore_mem>>) src(%arg10 : memref<256xf32, #tpu.memory_space<hbm>>) dst(%arg18 : memref<256xf32, #tpu.memory_space<vmem>>)
      tpu.yield
    }) : () -> ()
    "tpu.region"() ({
      %run_scoped3A = tpu.sem_alloc : memref<!tpu.dma_semaphore, #tpu.memory_space<semaphore_mem>>
      tpu.enqueue_dma source(%arg11 : memref<128xf32, #tpu.memory_space<hbm>>) target(%arg19 : memref<128xf32, #tpu.memory_space<vmem>>) target_semaphore(%run_scoped3A : memref<!tpu.dma_semaphore, #tpu.memory_space<semaphore_mem>>)
      tpu.wait_dma2 semaphore(%run_scoped3A : memref<!tpu.dma_semaphore, #tpu.memory_space<semaphore_mem>>) src(%arg11 : memref<128xf32, #tpu.memory_space<hbm>>) dst(%arg19 : memref<128xf32, #tpu.memory_space<vmem>>)
      tpu.yield
    }) : () -> ()
    "tpu.region"() ({
      %run_scoped3A = tpu.sem_alloc : memref<!tpu.dma_semaphore, #tpu.memory_space<semaphore_mem>>
      tpu.enqueue_dma source(%arg12 : memref<128xf32, #tpu.memory_space<hbm>>) target(%arg20 : memref<128xf32, #tpu.memory_space<vmem>>) target_semaphore(%run_scoped3A : memref<!tpu.dma_semaphore, #tpu.memory_space<semaphore_mem>>)
      tpu.wait_dma2 semaphore(%run_scoped3A : memref<!tpu.dma_semaphore, #tpu.memory_space<semaphore_mem>>) src(%arg12 : memref<128xf32, #tpu.memory_space<hbm>>) dst(%arg20 : memref<128xf32, #tpu.memory_space<vmem>>)
      tpu.yield
    }) : () -> ()
    %mul3A_31 = arith.constant 8192 : i32
    %mul3A_32 = arith.muli %select_n3A_30, %mul3A_31 : i32
    "tpu.region"() ({
      %run_scoped3A = tpu.sem_alloc : memref<!tpu.dma_semaphore, #tpu.memory_space<semaphore_mem>>
      %dma_start3A = tpu.memref_slice %arg4[%select_n3A, %mul3A_32] : memref<4x65536xi32, #tpu.memory_space<hbm>> -> memref<1x8192xi32, #tpu.memory_space<hbm>>
      %dma_start3A_377 = tpu.memref_squeeze %dma_start3A : memref<1x8192xi32, #tpu.memory_space<hbm>> -> memref<8192xi32, #tpu.memory_space<hbm>>
      %dma_start3A_378 = tpu.memref_slice %arg4[%select_n3A, %mul3A_32] : memref<4x65536xi32, #tpu.memory_space<hbm>> -> memref<1x8192xi32, #tpu.memory_space<hbm>>
      %dma_start3A_379 = tpu.memref_squeeze %dma_start3A_378 : memref<1x8192xi32, #tpu.memory_space<hbm>> -> memref<8192xi32, #tpu.memory_space<hbm>>
      tpu.enqueue_dma source(%dma_start3A_379 : memref<8192xi32, #tpu.memory_space<hbm>>) target(%arg22 : memref<8192xi32, #tpu.memory_space<vmem>>) target_semaphore(%run_scoped3A : memref<!tpu.dma_semaphore, #tpu.memory_space<semaphore_mem>>)
      %dma_wait3A = tpu.memref_slice %arg4[%select_n3A, %mul3A_32] : memref<4x65536xi32, #tpu.memory_space<hbm>> -> memref<1x8192xi32, #tpu.memory_space<hbm>>
      %dma_wait3A_380 = tpu.memref_squeeze %dma_wait3A : memref<1x8192xi32, #tpu.memory_space<hbm>> -> memref<8192xi32, #tpu.memory_space<hbm>>
      %dma_wait3A_381 = tpu.memref_slice %arg4[%select_n3A, %mul3A_32] : memref<4x65536xi32, #tpu.memory_space<hbm>> -> memref<1x8192xi32, #tpu.memory_space<hbm>>
      %dma_wait3A_382 = tpu.memref_squeeze %dma_wait3A_381 : memref<1x8192xi32, #tpu.memory_space<hbm>> -> memref<8192xi32, #tpu.memory_space<hbm>>
      tpu.wait_dma2 semaphore(%run_scoped3A : memref<!tpu.dma_semaphore, #tpu.memory_space<semaphore_mem>>) src(%dma_wait3A_382 : memref<8192xi32, #tpu.memory_space<hbm>>) dst(%arg22 : memref<8192xi32, #tpu.memory_space<vmem>>)
      tpu.yield
    }) : () -> ()
    %mul3A_33 = arith.constant 8192 : i32
    %mul3A_34 = arith.muli %select_n3A_30, %mul3A_33 : i32
    "tpu.region"() ({
      %run_scoped3A = tpu.sem_alloc : memref<!tpu.dma_semaphore, #tpu.memory_space<semaphore_mem>>
      %dma_start3A = tpu.memref_slice %arg5[%select_n3A, %mul3A_34] : memref<4x65536xi32, #tpu.memory_space<hbm>> -> memref<1x8192xi32, #tpu.memory_space<hbm>>
      %dma_start3A_377 = tpu.memref_squeeze %dma_start3A : memref<1x8192xi32, #tpu.memory_space<hbm>> -> memref<8192xi32, #tpu.memory_space<hbm>>
      %dma_start3A_378 = tpu.memref_slice %arg5[%select_n3A, %mul3A_34] : memref<4x65536xi32, #tpu.memory_space<hbm>> -> memref<1x8192xi32, #tpu.memory_space<hbm>>
      %dma_start3A_379 = tpu.memref_squeeze %dma_start3A_378 : memref<1x8192xi32, #tpu.memory_space<hbm>> -> memref<8192xi32, #tpu.memory_space<hbm>>
      tpu.enqueue_dma source(%dma_start3A_379 : memref<8192xi32, #tpu.memory_space<hbm>>) target(%arg23 : memref<8192xi32, #tpu.memory_space<vmem>>) target_semaphore(%run_scoped3A : memref<!tpu.dma_semaphore, #tpu.memory_space<semaphore_mem>>)
      %dma_wait3A = tpu.memref_slice %arg5[%select_n3A, %mul3A_34] : memref<4x65536xi32, #tpu.memory_space<hbm>> -> memref<1x8192xi32, #tpu.memory_space<hbm>>
      %dma_wait3A_380 = tpu.memref_squeeze %dma_wait3A : memref<1x8192xi32, #tpu.memory_space<hbm>> -> memref<8192xi32, #tpu.memory_space<hbm>>
      %dma_wait3A_381 = tpu.memref_slice %arg5[%select_n3A, %mul3A_34] : memref<4x65536xi32, #tpu.memory_space<hbm>> -> memref<1x8192xi32, #tpu.memory_space<hbm>>
      %dma_wait3A_382 = tpu.memref_squeeze %dma_wait3A_381 : memref<1x8192xi32, #tpu.memory_space<hbm>> -> memref<8192xi32, #tpu.memory_space<hbm>>
      tpu.wait_dma2 semaphore(%run_scoped3A : memref<!tpu.dma_semaphore, #tpu.memory_space<semaphore_mem>>) src(%dma_wait3A_382 : memref<8192xi32, #tpu.memory_space<hbm>>) dst(%arg23 : memref<8192xi32, #tpu.memory_space<vmem>>)
      tpu.yield
    }) : () -> ()
    %mul3A_35 = arith.constant 8192 : i32
    %mul3A_36 = arith.muli %select_n3A_30, %mul3A_35 : i32
    "tpu.region"() ({
      %run_scoped3A = tpu.sem_alloc : memref<!tpu.dma_semaphore, #tpu.memory_space<semaphore_mem>>
      %dma_start3A = tpu.memref_slice %arg6[%select_n3A, %mul3A_36] : memref<4x65536xf32, #tpu.memory_space<hbm>> -> memref<1x8192xf32, #tpu.memory_space<hbm>>
      %dma_start3A_377 = tpu.memref_squeeze %dma_start3A : memref<1x8192xf32, #tpu.memory_space<hbm>> -> memref<8192xf32, #tpu.memory_space<hbm>>
      %dma_start3A_378 = tpu.memref_slice %arg6[%select_n3A, %mul3A_36] : memref<4x65536xf32, #tpu.memory_space<hbm>> -> memref<1x8192xf32, #tpu.memory_space<hbm>>
      %dma_start3A_379 = tpu.memref_squeeze %dma_start3A_378 : memref<1x8192xf32, #tpu.memory_space<hbm>> -> memref<8192xf32, #tpu.memory_space<hbm>>
      tpu.enqueue_dma source(%dma_start3A_379 : memref<8192xf32, #tpu.memory_space<hbm>>) target(%arg24 : memref<8192xf32, #tpu.memory_space<vmem>>) target_semaphore(%run_scoped3A : memref<!tpu.dma_semaphore, #tpu.memory_space<semaphore_mem>>)
      %dma_wait3A = tpu.memref_slice %arg6[%select_n3A, %mul3A_36] : memref<4x65536xf32, #tpu.memory_space<hbm>> -> memref<1x8192xf32, #tpu.memory_space<hbm>>
      %dma_wait3A_380 = tpu.memref_squeeze %dma_wait3A : memref<1x8192xf32, #tpu.memory_space<hbm>> -> memref<8192xf32, #tpu.memory_space<hbm>>
      %dma_wait3A_381 = tpu.memref_slice %arg6[%select_n3A, %mul3A_36] : memref<4x65536xf32, #tpu.memory_space<hbm>> -> memref<1x8192xf32, #tpu.memory_space<hbm>>
      %dma_wait3A_382 = tpu.memref_squeeze %dma_wait3A_381 : memref<1x8192xf32, #tpu.memory_space<hbm>> -> memref<8192xf32, #tpu.memory_space<hbm>>
      tpu.wait_dma2 semaphore(%run_scoped3A : memref<!tpu.dma_semaphore, #tpu.memory_space<semaphore_mem>>) src(%dma_wait3A_382 : memref<8192xf32, #tpu.memory_space<hbm>>) dst(%arg24 : memref<8192xf32, #tpu.memory_space<vmem>>)
      tpu.yield
    }) : () -> ()
    %mul3A_37 = arith.constant 8192 : i32
    %mul3A_38 = arith.muli %select_n3A_30, %mul3A_37 : i32
    "tpu.region"() ({
      %run_scoped3A = tpu.sem_alloc : memref<!tpu.dma_semaphore, #tpu.memory_space<semaphore_mem>>
      %dma_start3A = tpu.memref_slice %arg7[%select_n3A, %mul3A_38] : memref<4x65536xf32, #tpu.memory_space<hbm>> -> memref<1x8192xf32, #tpu.memory_space<hbm>>
      %dma_start3A_377 = tpu.memref_squeeze %dma_start3A : memref<1x8192xf32, #tpu.memory_space<hbm>> -> memref<8192xf32, #tpu.memory_space<hbm>>
      %dma_start3A_378 = tpu.memref_slice %arg7[%select_n3A, %mul3A_38] : memref<4x65536xf32, #tpu.memory_space<hbm>> -> memref<1x8192xf32, #tpu.memory_space<hbm>>
      %dma_start3A_379 = tpu.memref_squeeze %dma_start3A_378 : memref<1x8192xf32, #tpu.memory_space<hbm>> -> memref<8192xf32, #tpu.memory_space<hbm>>
      tpu.enqueue_dma source(%dma_start3A_379 : memref<8192xf32, #tpu.memory_space<hbm>>) target(%arg25 : memref<8192xf32, #tpu.memory_space<vmem>>) target_semaphore(%run_scoped3A : memref<!tpu.dma_semaphore, #tpu.memory_space<semaphore_mem>>)
      %dma_wait3A = tpu.memref_slice %arg7[%select_n3A, %mul3A_38] : memref<4x65536xf32, #tpu.memory_space<hbm>> -> memref<1x8192xf32, #tpu.memory_space<hbm>>
      %dma_wait3A_380 = tpu.memref_squeeze %dma_wait3A : memref<1x8192xf32, #tpu.memory_space<hbm>> -> memref<8192xf32, #tpu.memory_space<hbm>>
      %dma_wait3A_381 = tpu.memref_slice %arg7[%select_n3A, %mul3A_38] : memref<4x65536xf32, #tpu.memory_space<hbm>> -> memref<1x8192xf32, #tpu.memory_space<hbm>>
      %dma_wait3A_382 = tpu.memref_squeeze %dma_wait3A_381 : memref<1x8192xf32, #tpu.memory_space<hbm>> -> memref<8192xf32, #tpu.memory_space<hbm>>
      tpu.wait_dma2 semaphore(%run_scoped3A : memref<!tpu.dma_semaphore, #tpu.memory_space<semaphore_mem>>) src(%dma_wait3A_382 : memref<8192xf32, #tpu.memory_space<hbm>>) dst(%arg25 : memref<8192xf32, #tpu.memory_space<vmem>>)
      tpu.yield
    }) : () -> ()
    %mul3A_39 = arith.constant 32 : i32
    %mul3A_40 = arith.muli %select_n3A, %mul3A_39 : i32
    %add3A_41 = arith.constant 0 : i32
    %add3A_42 = arith.addi %add3A_41, %mul3A_40 : i32
    %get3A = arith.index_cast %add3A_42 : i32 to index
    %get3A_43 = tpu.vector_load %arg16[%get3A] {strides = array<i32>} : memref<256xf32, #tpu.memory_space<vmem>>, vector<16xf32>,
    %mul3A_44 = arith.constant 32 : i32
    %mul3A_45 = arith.muli %select_n3A, %mul3A_44 : i32
    %add3A_46 = arith.constant 0 : i32
    %add3A_47 = arith.addi %add3A_46, %mul3A_45 : i32
    %add3A_48 = arith.constant 16 : i32
    %add3A_49 = arith.addi %add3A_47, %add3A_48 : i32
    %get3A_50 = arith.index_cast %add3A_49 : i32 to index
    %get3A_51 = tpu.vector_load %arg16[%get3A_50] {strides = array<i32>} : memref<256xf32, #tpu.memory_space<vmem>>, vector<16xf32>,
    %mul3A_52 = arith.constant 16 : i32
    %mul3A_53 = arith.muli %select_n3A, %mul3A_52 : i32
    %add3A_54 = arith.constant 0 : i32
    %add3A_55 = arith.addi %add3A_54, %mul3A_53 : i32
    %get3A_56 = arith.index_cast %add3A_55 : i32 to index
    %get3A_57 = tpu.vector_load %arg19[%get3A_56] {strides = array<i32>} : memref<128xf32, #tpu.memory_space<vmem>>, vector<16xf32>,
    %mul3A_58 = arith.constant 16 : i32
    %mul3A_59 = arith.muli %select_n3A, %mul3A_58 : i32
    %add3A_60 = arith.constant 0 : i32
    %add3A_61 = arith.addi %add3A_60, %mul3A_59 : i32
    %get3A_62 = arith.index_cast %add3A_61 : i32 to index
    %get3A_63 = tpu.vector_load %arg20[%get3A_62] {strides = array<i32>} : memref<128xf32, #tpu.memory_space<vmem>>, vector<16xf32>,
    %mul3A_64 = arith.constant 32 : i32
    %mul3A_65 = arith.muli %select_n3A, %mul3A_64 : i32
    %add3A_66 = arith.constant 0 : i32
    %add3A_67 = arith.addi %add3A_66, %mul3A_65 : i32
    %add3A_68 = arith.constant 0 : i32
    %add3A_69 = arith.addi %add3A_67, %add3A_68 : i32
    %get3A_70 = arith.index_cast %add3A_69 : i32 to index
    %get3A_71 = tpu.vector_load %arg17[%get3A_70] {strides = array<i32>} : memref<256xf32, #tpu.memory_space<vmem>>, vector<16xf32>,
    %mul3A_72 = arith.mulf %get3A_43, %get3A_71 : vector<16xf32>
    %reduce_sum3A = arith.constant true
    %reduce_sum3A_73 = vector.broadcast %reduce_sum3A : i1 to vector<16xi1>
    %reduce_sum3A_74 = tpu.scan <sum>, %mul3A_72 masked %reduce_sum3A_73 : vector<16xf32>, vector<16xi1> -> vector<16xf32>
    %reduce_sum3A_75 = vector.extract %reduce_sum3A_74[15] : f32 from vector<16xf32>
    %mul3A_76 = arith.constant 2.500000e-01 : f32
    %mul3A_77 = arith.mulf %reduce_sum3A_75, %mul3A_76 : f32
    %mul3A_78 = arith.mulf %get3A_51, %get3A_71 : vector<16xf32>
    %reduce_sum3A_79 = arith.constant true
    %reduce_sum3A_80 = vector.broadcast %reduce_sum3A_79 : i1 to vector<16xi1>
    %reduce_sum3A_81 = tpu.scan <sum>, %mul3A_78 masked %reduce_sum3A_80 : vector<16xf32>, vector<16xi1> -> vector<16xf32>
    %reduce_sum3A_82 = vector.extract %reduce_sum3A_81[15] : f32 from vector<16xf32>
    %mul3A_83 = arith.constant 2.500000e-01 : f32
    %mul3A_84 = arith.mulf %reduce_sum3A_82, %mul3A_83 : f32
    %mul3A_85 = arith.mulf %get3A_57, %get3A_71 : vector<16xf32>
    %reduce_sum3A_86 = arith.constant true
    %reduce_sum3A_87 = vector.broadcast %reduce_sum3A_86 : i1 to vector<16xi1>
    %reduce_sum3A_88 = tpu.scan <sum>, %mul3A_85 masked %reduce_sum3A_87 : vector<16xf32>, vector<16xi1> -> vector<16xf32>
    %reduce_sum3A_89 = vector.extract %reduce_sum3A_88[15] : f32 from vector<16xf32>
    %mul3A_90 = arith.constant 2.500000e-01 : f32
    %mul3A_91 = arith.mulf %reduce_sum3A_89, %mul3A_90 : f32
    %mul3A_92 = arith.constant 32 : i32
    %mul3A_93 = arith.muli %select_n3A, %mul3A_92 : i32
    %add3A_94 = arith.constant 0 : i32
    %add3A_95 = arith.addi %add3A_94, %mul3A_93 : i32
    %add3A_96 = arith.constant 16 : i32
    %add3A_97 = arith.addi %add3A_95, %add3A_96 : i32
    %get3A_98 = arith.index_cast %add3A_97 : i32 to index
    %get3A_99 = tpu.vector_load %arg17[%get3A_98] {strides = array<i32>} : memref<256xf32, #tpu.memory_space<vmem>>, vector<16xf32>,
    %mul3A_100 = arith.mulf %get3A_43, %get3A_99 : vector<16xf32>
    %reduce_sum3A_101 = arith.constant true
    %reduce_sum3A_102 = vector.broadcast %reduce_sum3A_101 : i1 to vector<16xi1>
    %reduce_sum3A_103 = tpu.scan <sum>, %mul3A_100 masked %reduce_sum3A_102 : vector<16xf32>, vector<16xi1> -> vector<16xf32>
    %reduce_sum3A_104 = vector.extract %reduce_sum3A_103[15] : f32 from vector<16xf32>
    %mul3A_105 = arith.constant 2.500000e-01 : f32
    %mul3A_106 = arith.mulf %reduce_sum3A_104, %mul3A_105 : f32
    %mul3A_107 = arith.mulf %get3A_51, %get3A_99 : vector<16xf32>
    %reduce_sum3A_108 = arith.constant true
    %reduce_sum3A_109 = vector.broadcast %reduce_sum3A_108 : i1 to vector<16xi1>
    %reduce_sum3A_110 = tpu.scan <sum>, %mul3A_107 masked %reduce_sum3A_109 : vector<16xf32>, vector<16xi1> -> vector<16xf32>
    %reduce_sum3A_111 = vector.extract %reduce_sum3A_110[15] : f32 from vector<16xf32>
    %mul3A_112 = arith.constant 2.500000e-01 : f32
    %mul3A_113 = arith.mulf %reduce_sum3A_111, %mul3A_112 : f32
    %mul3A_114 = arith.mulf %get3A_57, %get3A_99 : vector<16xf32>
    %reduce_sum3A_115 = arith.constant true
    %reduce_sum3A_116 = vector.broadcast %reduce_sum3A_115 : i1 to vector<16xi1>
    %reduce_sum3A_117 = tpu.scan <sum>, %mul3A_114 masked %reduce_sum3A_116 : vector<16xf32>, vector<16xi1> -> vector<16xf32>
    %reduce_sum3A_118 = vector.extract %reduce_sum3A_117[15] : f32 from vector<16xf32>
    %mul3A_119 = arith.constant 2.500000e-01 : f32
    %mul3A_120 = arith.mulf %reduce_sum3A_118, %mul3A_119 : f32
    %mul3A_121 = arith.constant 32 : i32
    %mul3A_122 = arith.muli %select_n3A, %mul3A_121 : i32
    %add3A_123 = arith.constant 0 : i32
    %add3A_124 = arith.addi %add3A_123, %mul3A_122 : i32
    %add3A_125 = arith.constant 0 : i32
    %add3A_126 = arith.addi %add3A_124, %add3A_125 : i32
    %get3A_127 = arith.index_cast %add3A_126 : i32 to index
    %get3A_128 = tpu.vector_load %arg18[%get3A_127] {strides = array<i32>} : memref<256xf32, #tpu.memory_space<vmem>>, vector<16xf32>,
    %mul3A_129 = arith.mulf %get3A_43, %get3A_128 : vector<16xf32>
    %reduce_sum3A_130 = arith.constant true
    %reduce_sum3A_131 = vector.broadcast %reduce_sum3A_130 : i1 to vector<16xi1>
    %reduce_sum3A_132 = tpu.scan <sum>, %mul3A_129 masked %reduce_sum3A_131 : vector<16xf32>, vector<16xi1> -> vector<16xf32>
    %reduce_sum3A_133 = vector.extract %reduce_sum3A_132[15] : f32 from vector<16xf32>
    %mul3A_134 = arith.constant 2.500000e-01 : f32
    %mul3A_135 = arith.mulf %reduce_sum3A_133, %mul3A_134 : f32
    %mul3A_136 = arith.mulf %get3A_51, %get3A_128 : vector<16xf32>
    %reduce_sum3A_137 = arith.constant true
    %reduce_sum3A_138 = vector.broadcast %reduce_sum3A_137 : i1 to vector<16xi1>
    %reduce_sum3A_139 = tpu.scan <sum>, %mul3A_136 masked %reduce_sum3A_138 : vector<16xf32>, vector<16xi1> -> vector<16xf32>
    %reduce_sum3A_140 = vector.extract %reduce_sum3A_139[15] : f32 from vector<16xf32>
    %mul3A_141 = arith.constant 2.500000e-01 : f32
    %mul3A_142 = arith.mulf %reduce_sum3A_140, %mul3A_141 : f32
    %mul3A_143 = arith.mulf %get3A_57, %get3A_128 : vector<16xf32>
    %reduce_sum3A_144 = arith.constant true
    %reduce_sum3A_145 = vector.broadcast %reduce_sum3A_144 : i1 to vector<16xi1>
    %reduce_sum3A_146 = tpu.scan <sum>, %mul3A_143 masked %reduce_sum3A_145 : vector<16xf32>, vector<16xi1> -> vector<16xf32>
    %reduce_sum3A_147 = vector.extract %reduce_sum3A_146[15] : f32 from vector<16xf32>
    %mul3A_148 = arith.constant 2.500000e-01 : f32
    %mul3A_149 = arith.mulf %reduce_sum3A_147, %mul3A_148 : f32
    %mul3A_150 = arith.constant 32 : i32
    %mul3A_151 = arith.muli %select_n3A, %mul3A_150 : i32
    %add3A_152 = arith.constant 0 : i32
    %add3A_153 = arith.addi %add3A_152, %mul3A_151 : i32
    %add3A_154 = arith.constant 16 : i32
    %add3A_155 = arith.addi %add3A_153, %add3A_154 : i32
    %get3A_156 = arith.index_cast %add3A_155 : i32 to index
    %get3A_157 = tpu.vector_load %arg18[%get3A_156] {strides = array<i32>} : memref<256xf32, #tpu.memory_space<vmem>>, vector<16xf32>,
    %mul3A_158 = arith.mulf %get3A_43, %get3A_157 : vector<16xf32>
    %reduce_sum3A_159 = arith.constant true
    %reduce_sum3A_160 = vector.broadcast %reduce_sum3A_159 : i1 to vector<16xi1>
    %reduce_sum3A_161 = tpu.scan <sum>, %mul3A_158 masked %reduce_sum3A_160 : vector<16xf32>, vector<16xi1> -> vector<16xf32>
    %reduce_sum3A_162 = vector.extract %reduce_sum3A_161[15] : f32 from vector<16xf32>
    %mul3A_163 = arith.constant 2.500000e-01 : f32
    %mul3A_164 = arith.mulf %reduce_sum3A_162, %mul3A_163 : f32
    %mul3A_165 = arith.mulf %get3A_51, %get3A_157 : vector<16xf32>
    %reduce_sum3A_166 = arith.constant true
    %reduce_sum3A_167 = vector.broadcast %reduce_sum3A_166 : i1 to vector<16xi1>
    %reduce_sum3A_168 = tpu.scan <sum>, %mul3A_165 masked %reduce_sum3A_167 : vector<16xf32>, vector<16xi1> -> vector<16xf32>
    %reduce_sum3A_169 = vector.extract %reduce_sum3A_168[15] : f32 from vector<16xf32>
    %mul3A_170 = arith.constant 2.500000e-01 : f32
    %mul3A_171 = arith.mulf %reduce_sum3A_169, %mul3A_170 : f32
    %mul3A_172 = arith.mulf %get3A_57, %get3A_157 : vector<16xf32>
    %reduce_sum3A_173 = arith.constant true
    %reduce_sum3A_174 = vector.broadcast %reduce_sum3A_173 : i1 to vector<16xi1>
    %reduce_sum3A_175 = tpu.scan <sum>, %mul3A_172 masked %reduce_sum3A_174 : vector<16xf32>, vector<16xi1> -> vector<16xf32>
    %reduce_sum3A_176 = vector.extract %reduce_sum3A_175[15] : f32 from vector<16xf32>
    %mul3A_177 = arith.constant 2.500000e-01 : f32
    %mul3A_178 = arith.mulf %reduce_sum3A_176, %mul3A_177 : f32
    %mul3A_179 = arith.mulf %get3A_43, %get3A_63 : vector<16xf32>
    %reduce_sum3A_180 = arith.constant true
    %reduce_sum3A_181 = vector.broadcast %reduce_sum3A_180 : i1 to vector<16xi1>
    %reduce_sum3A_182 = tpu.scan <sum>, %mul3A_179 masked %reduce_sum3A_181 : vector<16xf32>, vector<16xi1> -> vector<16xf32>
    %reduce_sum3A_183 = vector.extract %reduce_sum3A_182[15] : f32 from vector<16xf32>
    %mul3A_184 = arith.constant 2.500000e-01 : f32
    %mul3A_185 = arith.mulf %reduce_sum3A_183, %mul3A_184 : f32
    %mul3A_186 = arith.mulf %get3A_51, %get3A_63 : vector<16xf32>
    %reduce_sum3A_187 = arith.constant true
    %reduce_sum3A_188 = vector.broadcast %reduce_sum3A_187 : i1 to vector<16xi1>
    %reduce_sum3A_189 = tpu.scan <sum>, %mul3A_186 masked %reduce_sum3A_188 : vector<16xf32>, vector<16xi1> -> vector<16xf32>
    %reduce_sum3A_190 = vector.extract %reduce_sum3A_189[15] : f32 from vector<16xf32>
    %mul3A_191 = arith.constant 2.500000e-01 : f32
    %mul3A_192 = arith.mulf %reduce_sum3A_190, %mul3A_191 : f32
    %mul3A_193 = arith.mulf %get3A_57, %get3A_63 : vector<16xf32>
    %reduce_sum3A_194 = arith.constant true
    %reduce_sum3A_195 = vector.broadcast %reduce_sum3A_194 : i1 to vector<16xi1>
    %reduce_sum3A_196 = tpu.scan <sum>, %mul3A_193 masked %reduce_sum3A_195 : vector<16xf32>, vector<16xi1> -> vector<16xf32>
    %reduce_sum3A_197 = vector.extract %reduce_sum3A_196[15] : f32 from vector<16xf32>
    %mul3A_198 = arith.constant 2.500000e-01 : f32
    %mul3A_199 = arith.mulf %reduce_sum3A_197, %mul3A_198 : f32
    %mul3A_200 = arith.constant 32 : i32
    %mul3A_201 = arith.muli %select_n3A, %mul3A_200 : i32
    %add3A_202 = arith.constant 128 : i32
    %add3A_203 = arith.addi %add3A_202, %mul3A_201 : i32
    %get3A_204 = arith.index_cast %add3A_203 : i32 to index
    %get3A_205 = tpu.vector_load %arg16[%get3A_204] {strides = array<i32>} : memref<256xf32, #tpu.memory_space<vmem>>, vector<16xf32>,
    %mul3A_206 = arith.constant 32 : i32
    %mul3A_207 = arith.muli %select_n3A, %mul3A_206 : i32
    %add3A_208 = arith.constant 128 : i32
    %add3A_209 = arith.addi %add3A_208, %mul3A_207 : i32
    %add3A_210 = arith.constant 16 : i32
    %add3A_211 = arith.addi %add3A_209, %add3A_210 : i32
    %get3A_212 = arith.index_cast %add3A_211 : i32 to index
    %get3A_213 = tpu.vector_load %arg16[%get3A_212] {strides = array<i32>} : memref<256xf32, #tpu.memory_space<vmem>>, vector<16xf32>,
    %mul3A_214 = arith.constant 16 : i32
    %mul3A_215 = arith.muli %select_n3A, %mul3A_214 : i32
    %add3A_216 = arith.constant 64 : i32
    %add3A_217 = arith.addi %add3A_216, %mul3A_215 : i32
    %get3A_218 = arith.index_cast %add3A_217 : i32 to index
    %get3A_219 = tpu.vector_load %arg19[%get3A_218] {strides = array<i32>} : memref<128xf32, #tpu.memory_space<vmem>>, vector<16xf32>,
    %mul3A_220 = arith.constant 16 : i32
    %mul3A_221 = arith.muli %select_n3A, %mul3A_220 : i32
    %add3A_222 = arith.constant 64 : i32
    %add3A_223 = arith.addi %add3A_222, %mul3A_221 : i32
    %get3A_224 = arith.index_cast %add3A_223 : i32 to index
    %get3A_225 = tpu.vector_load %arg20[%get3A_224] {strides = array<i32>} : memref<128xf32, #tpu.memory_space<vmem>>, vector<16xf32>,
    %mul3A_226 = arith.constant 32 : i32
    %mul3A_227 = arith.muli %select_n3A, %mul3A_226 : i32
    %add3A_228 = arith.constant 128 : i32
    %add3A_229 = arith.addi %add3A_228, %mul3A_227 : i32
    %add3A_230 = arith.constant 0 : i32
    %add3A_231 = arith.addi %add3A_229, %add3A_230 : i32
    %get3A_232 = arith.index_cast %add3A_231 : i32 to index
    %get3A_233 = tpu.vector_load %arg17[%get3A_232] {strides = array<i32>} : memref<256xf32, #tpu.memory_space<vmem>>, vector<16xf32>,
    %mul3A_234 = arith.mulf %get3A_205, %get3A_233 : vector<16xf32>
    %reduce_sum3A_235 = arith.constant true
    %reduce_sum3A_236 = vector.broadcast %reduce_sum3A_235 : i1 to vector<16xi1>
    %reduce_sum3A_237 = tpu.scan <sum>, %mul3A_234 masked %reduce_sum3A_236 : vector<16xf32>, vector<16xi1> -> vector<16xf32>
    %reduce_sum3A_238 = vector.extract %reduce_sum3A_237[15] : f32 from vector<16xf32>
    %mul3A_239 = arith.constant 2.500000e-01 : f32
    %mul3A_240 = arith.mulf %reduce_sum3A_238, %mul3A_239 : f32
    %mul3A_241 = arith.mulf %get3A_213, %get3A_233 : vector<16xf32>
    %reduce_sum3A_242 = arith.constant true
    %reduce_sum3A_243 = vector.broadcast %reduce_sum3A_242 : i1 to vector<16xi1>
    %reduce_sum3A_244 = tpu.scan <sum>, %mul3A_241 masked %reduce_sum3A_243 : vector<16xf32>, vector<16xi1> -> vector<16xf32>
    %reduce_sum3A_245 = vector.extract %reduce_sum3A_244[15] : f32 from vector<16xf32>
    %mul3A_246 = arith.constant 2.500000e-01 : f32
    %mul3A_247 = arith.mulf %reduce_sum3A_245, %mul3A_246 : f32
    %mul3A_248 = arith.mulf %get3A_219, %get3A_233 : vector<16xf32>
    %reduce_sum3A_249 = arith.constant true
    %reduce_sum3A_250 = vector.broadcast %reduce_sum3A_249 : i1 to vector<16xi1>
    %reduce_sum3A_251 = tpu.scan <sum>, %mul3A_248 masked %reduce_sum3A_250 : vector<16xf32>, vector<16xi1> -> vector<16xf32>
    %reduce_sum3A_252 = vector.extract %reduce_sum3A_251[15] : f32 from vector<16xf32>
    %mul3A_253 = arith.constant 2.500000e-01 : f32
    %mul3A_254 = arith.mulf %reduce_sum3A_252, %mul3A_253 : f32
    %mul3A_255 = arith.constant 32 : i32
    %mul3A_256 = arith.muli %select_n3A, %mul3A_255 : i32
    %add3A_257 = arith.constant 128 : i32
    %add3A_258 = arith.addi %add3A_257, %mul3A_256 : i32
    %add3A_259 = arith.constant 16 : i32
    %add3A_260 = arith.addi %add3A_258, %add3A_259 : i32
    %get3A_261 = arith.index_cast %add3A_260 : i32 to index
    %get3A_262 = tpu.vector_load %arg17[%get3A_261] {strides = array<i32>} : memref<256xf32, #tpu.memory_space<vmem>>, vector<16xf32>,
    %mul3A_263 = arith.mulf %get3A_205, %get3A_262 : vector<16xf32>
    %reduce_sum3A_264 = arith.constant true
    %reduce_sum3A_265 = vector.broadcast %reduce_sum3A_264 : i1 to vector<16xi1>
    %reduce_sum3A_266 = tpu.scan <sum>, %mul3A_263 masked %reduce_sum3A_265 : vector<16xf32>, vector<16xi1> -> vector<16xf32>
    %reduce_sum3A_267 = vector.extract %reduce_sum3A_266[15] : f32 from vector<16xf32>
    %mul3A_268 = arith.constant 2.500000e-01 : f32
    %mul3A_269 = arith.mulf %reduce_sum3A_267, %mul3A_268 : f32
    %mul3A_270 = arith.mulf %get3A_213, %get3A_262 : vector<16xf32>
    %reduce_sum3A_271 = arith.constant true
    %reduce_sum3A_272 = vector.broadcast %reduce_sum3A_271 : i1 to vector<16xi1>
    %reduce_sum3A_273 = tpu.scan <sum>, %mul3A_270 masked %reduce_sum3A_272 : vector<16xf32>, vector<16xi1> -> vector<16xf32>
    %reduce_sum3A_274 = vector.extract %reduce_sum3A_273[15] : f32 from vector<16xf32>
    %mul3A_275 = arith.constant 2.500000e-01 : f32
    %mul3A_276 = arith.mulf %reduce_sum3A_274, %mul3A_275 : f32
    %mul3A_277 = arith.mulf %get3A_219, %get3A_262 : vector<16xf32>
    %reduce_sum3A_278 = arith.constant true
    %reduce_sum3A_279 = vector.broadcast %reduce_sum3A_278 : i1 to vector<16xi1>
    %reduce_sum3A_280 = tpu.scan <sum>, %mul3A_277 masked %reduce_sum3A_279 : vector<16xf32>, vector<16xi1> -> vector<16xf32>
    %reduce_sum3A_281 = vector.extract %reduce_sum3A_280[15] : f32 from vector<16xf32>
    %mul3A_282 = arith.constant 2.500000e-01 : f32
    %mul3A_283 = arith.mulf %reduce_sum3A_281, %mul3A_282 : f32
    %mul3A_284 = arith.constant 32 : i32
    %mul3A_285 = arith.muli %select_n3A, %mul3A_284 : i32
    %add3A_286 = arith.constant 128 : i32
    %add3A_287 = arith.addi %add3A_286, %mul3A_285 : i32
    %add3A_288 = arith.constant 0 : i32
    %add3A_289 = arith.addi %add3A_287, %add3A_288 : i32
    %get3A_290 = arith.index_cast %add3A_289 : i32 to index
    %get3A_291 = tpu.vector_load %arg18[%get3A_290] {strides = array<i32>} : memref<256xf32, #tpu.memory_space<vmem>>, vector<16xf32>,
    %mul3A_292 = arith.mulf %get3A_205, %get3A_291 : vector<16xf32>
    %reduce_sum3A_293 = arith.constant true
    %reduce_sum3A_294 = vector.broadcast %reduce_sum3A_293 : i1 to vector<16xi1>
    %reduce_sum3A_295 = tpu.scan <sum>, %mul3A_292 masked %reduce_sum3A_294 : vector<16xf32>, vector<16xi1> -> vector<16xf32>
    %reduce_sum3A_296 = vector.extract %reduce_sum3A_295[15] : f32 from vector<16xf32>
    %mul3A_297 = arith.constant 2.500000e-01 : f32
    %mul3A_298 = arith.mulf %reduce_sum3A_296, %mul3A_297 : f32
    %mul3A_299 = arith.mulf %get3A_213, %get3A_291 : vector<16xf32>
    %reduce_sum3A_300 = arith.constant true
    %reduce_sum3A_301 = vector.broadcast %reduce_sum3A_300 : i1 to vector<16xi1>
    %reduce_sum3A_302 = tpu.scan <sum>, %mul3A_299 masked %reduce_sum3A_301 : vector<16xf32>, vector<16xi1> -> vector<16xf32>
    %reduce_sum3A_303 = vector.extract %reduce_sum3A_302[15] : f32 from vector<16xf32>
    %mul3A_304 = arith.constant 2.500000e-01 : f32
    %mul3A_305 = arith.mulf %reduce_sum3A_303, %mul3A_304 : f32
    %mul3A_306 = arith.mulf %get3A_219, %get3A_291 : vector<16xf32>
    %reduce_sum3A_307 = arith.constant true
    %reduce_sum3A_308 = vector.broadcast %reduce_sum3A_307 : i1 to vector<16xi1>
    %reduce_sum3A_309 = tpu.scan <sum>, %mul3A_306 masked %reduce_sum3A_308 : vector<16xf32>, vector<16xi1> -> vector<16xf32>
    %reduce_sum3A_310 = vector.extract %reduce_sum3A_309[15] : f32 from vector<16xf32>
    %mul3A_311 = arith.constant 2.500000e-01 : f32
    %mul3A_312 = arith.mulf %reduce_sum3A_310, %mul3A_311 : f32
    %mul3A_313 = arith.constant 32 : i32
    %mul3A_314 = arith.muli %select_n3A, %mul3A_313 : i32
    %add3A_315 = arith.constant 128 : i32
    %add3A_316 = arith.addi %add3A_315, %mul3A_314 : i32
    %add3A_317 = arith.constant 16 : i32
    %add3A_318 = arith.addi %add3A_316, %add3A_317 : i32
    %get3A_319 = arith.index_cast %add3A_318 : i32 to index
    %get3A_320 = tpu.vector_load %arg18[%get3A_319] {strides = array<i32>} : memref<256xf32, #tpu.memory_space<vmem>>, vector<16xf32>,
    %mul3A_321 = arith.mulf %get3A_205, %get3A_320 : vector<16xf32>
    %reduce_sum3A_322 = arith.constant true
    %reduce_sum3A_323 = vector.broadcast %reduce_sum3A_322 : i1 to vector<16xi1>
    %reduce_sum3A_324 = tpu.scan <sum>, %mul3A_321 masked %reduce_sum3A_323 : vector<16xf32>, vector<16xi1> -> vector<16xf32>
    %reduce_sum3A_325 = vector.extract %reduce_sum3A_324[15] : f32 from vector<16xf32>
    %mul3A_326 = arith.constant 2.500000e-01 : f32
    %mul3A_327 = arith.mulf %reduce_sum3A_325, %mul3A_326 : f32
    %mul3A_328 = arith.mulf %get3A_213, %get3A_320 : vector<16xf32>
    %reduce_sum3A_329 = arith.constant true
    %reduce_sum3A_330 = vector.broadcast %reduce_sum3A_329 : i1 to vector<16xi1>
    %reduce_sum3A_331 = tpu.scan <sum>, %mul3A_328 masked %reduce_sum3A_330 : vector<16xf32>, vector<16xi1> -> vector<16xf32>
    %reduce_sum3A_332 = vector.extract %reduce_sum3A_331[15] : f32 from vector<16xf32>
    %mul3A_333 = arith.constant 2.500000e-01 : f32
    %mul3A_334 = arith.mulf %reduce_sum3A_332, %mul3A_333 : f32
    %mul3A_335 = arith.mulf %get3A_219, %get3A_320 : vector<16xf32>
    %reduce_sum3A_336 = arith.constant true
    %reduce_sum3A_337 = vector.broadcast %reduce_sum3A_336 : i1 to vector<16xi1>
    %reduce_sum3A_338 = tpu.scan <sum>, %mul3A_335 masked %reduce_sum3A_337 : vector<16xf32>, vector<16xi1> -> vector<16xf32>
    %reduce_sum3A_339 = vector.extract %reduce_sum3A_338[15] : f32 from vector<16xf32>
    %mul3A_340 = arith.constant 2.500000e-01 : f32
    %mul3A_341 = arith.mulf %reduce_sum3A_339, %mul3A_340 : f32
    %mul3A_342 = arith.mulf %get3A_205, %get3A_225 : vector<16xf32>
    %reduce_sum3A_343 = arith.constant true
    %reduce_sum3A_344 = vector.broadcast %reduce_sum3A_343 : i1 to vector<16xi1>
    %reduce_sum3A_345 = tpu.scan <sum>, %mul3A_342 masked %reduce_sum3A_344 : vector<16xf32>, vector<16xi1> -> vector<16xf32>
    %reduce_sum3A_346 = vector.extract %reduce_sum3A_345[15] : f32 from vector<16xf32>
    %mul3A_347 = arith.constant 2.500000e-01 : f32
    %mul3A_348 = arith.mulf %reduce_sum3A_346, %mul3A_347 : f32
    %mul3A_349 = arith.mulf %get3A_213, %get3A_225 : vector<16xf32>
    %reduce_sum3A_350 = arith.constant true
    %reduce_sum3A_351 = vector.broadcast %reduce_sum3A_350 : i1 to vector<16xi1>
    %reduce_sum3A_352 = tpu.scan <sum>, %mul3A_349 masked %reduce_sum3A_351 : vector<16xf32>, vector<16xi1> -> vector<16xf32>
    %reduce_sum3A_353 = vector.extract %reduce_sum3A_352[15] : f32 from vector<16xf32>
    %mul3A_354 = arith.constant 2.500000e-01 : f32
    %mul3A_355 = arith.mulf %reduce_sum3A_353, %mul3A_354 : f32
    %mul3A_356 = arith.mulf %get3A_219, %get3A_225 : vector<16xf32>
    %reduce_sum3A_357 = arith.constant true
    %reduce_sum3A_358 = vector.broadcast %reduce_sum3A_357 : i1 to vector<16xi1>
    %reduce_sum3A_359 = tpu.scan <sum>, %mul3A_356 masked %reduce_sum3A_358 : vector<16xf32>, vector<16xi1> -> vector<16xf32>
    %reduce_sum3A_360 = vector.extract %reduce_sum3A_359[15] : f32 from vector<16xf32>
    %mul3A_361 = arith.constant 2.500000e-01 : f32
    %mul3A_362 = arith.mulf %reduce_sum3A_360, %mul3A_361 : f32
    %mul3A_363 = arith.constant 1024 : i32
    %mul3A_364 = arith.muli %select_n3A, %mul3A_363 : i32
    %broadcast_in_dim3A = arith.constant 0.000000e+00 : f32
    %broadcast_in_dim3A_365 = vector.broadcast %broadcast_in_dim3A : f32 to vector<16xf32>
    %scan3A = arith.constant 0 : i32
    %scan3A_366 = arith.constant 0 : i32
    %scan3A_367 = arith.constant 640 : i32
    %scan3A_368 = arith.addi %scan3A_366, %scan3A_367 : i32
    %scan3A_369 = arith.constant 1 : i32
    scf.for %scan3A_377 = %scan3A_366 to %scan3A_368 step %scan3A_369  : i32 {
      %mul3A_378 = arith.constant 16 : i32
      %mul3A_379 = arith.muli %scan3A_377, %mul3A_378 : i32
      %swap3A = arith.index_cast %mul3A_379 : i32 to index
      %swap3A_380 = tpu.vector_load %arg21[%swap3A] {strides = array<i32>} : memref<10240xf32, #tpu.memory_space<vmem>>, vector<16xf32>,
      tpu.vector_store %arg21[%swap3A], %broadcast_in_dim3A_365 {strides = array<i32>} : memref<10240xf32, #tpu.memory_space<vmem>>, vector<16xf32>,
    }
    %scan3A_370 = arith.constant 640 : i32
    %scan3A_371 = arith.constant 0 : i32
    %scan3A_372 = arith.constant 0 : i32
    %scan3A_373 = arith.constant 128 : i32
    %scan3A_374 = arith.addi %scan3A_372, %scan3A_373 : i32
    %scan3A_375 = arith.constant 1 : i32
    scf.for %scan3A_377 = %scan3A_372 to %scan3A_374 step %scan3A_375  : i32 {
      %mul3A_378 = arith.constant 64 : i32
      %mul3A_379 = arith.muli %scan3A_377, %mul3A_378 : i32
      %add3A_380 = arith.constant 0 : i32
      %add3A_381 = arith.addi %mul3A_379, %add3A_380 : i32
      %get3A_382 = arith.index_cast %add3A_381 : i32 to index
      %get3A_383 = tpu.vector_load %arg22[%get3A_382] {strides = array<i32>} : memref<8192xi32, #tpu.memory_space<vmem>>, vector<16xi32>,
      %get3A_384 = arith.index_cast %add3A_381 : i32 to index
      %get3A_385 = tpu.vector_load %arg23[%get3A_384] {strides = array<i32>} : memref<8192xi32, #tpu.memory_space<vmem>>, vector<16xi32>,
      %gather3A = tpu.vector_load_idx %arg14[%get3A_383] : memref<4096xf32, #tpu.memory_space<vmem>>[vector<16xi32>], vector<16xf32>,
      %gather3A_386 = tpu.vector_load_idx %arg15[%get3A_383] : memref<4096xf32, #tpu.memory_space<vmem>>[vector<16xi32>], vector<16xf32>,
      %add3A_387 = vector.broadcast %mul3A_364 : i32 to vector<16xi32>
      %add3A_388 = arith.addi %add3A_387, %get3A_385 : vector<16xi32>
      %gather3A_389 = tpu.vector_load_idx %arg14[%add3A_388] : memref<4096xf32, #tpu.memory_space<vmem>>[vector<16xi32>], vector<16xf32>,
      %gather3A_390 = tpu.vector_load_idx %arg15[%add3A_388] : memref<4096xf32, #tpu.memory_space<vmem>>[vector<16xi32>], vector<16xf32>,
      %get3A_391 = arith.index_cast %add3A_381 : i32 to index
      %get3A_392 = tpu.vector_load %arg24[%get3A_391] {strides = array<i32>} : memref<8192xf32, #tpu.memory_space<vmem>>, vector<16xf32>,
      %get3A_393 = arith.index_cast %add3A_381 : i32 to index
      %get3A_394 = tpu.vector_load %arg25[%get3A_393] {strides = array<i32>} : memref<8192xf32, #tpu.memory_space<vmem>>, vector<16xf32>,
      %mul3A_395 = vector.broadcast %mul3A_77 : f32 to vector<16xf32>
      %mul3A_396 = arith.mulf %gather3A_389, %mul3A_395 : vector<16xf32>
      %mul3A_397 = vector.broadcast %mul3A_84 : f32 to vector<16xf32>
      %mul3A_398 = arith.mulf %gather3A_390, %mul3A_397 : vector<16xf32>
      %add3A_399 = vector.broadcast %mul3A_91 : f32 to vector<16xf32>
      %add3A_400 = arith.addf %mul3A_398, %add3A_399 : vector<16xf32>
      %add3A_401 = arith.addf %mul3A_396, %add3A_400 : vector<16xf32>
      %mul3A_402 = vector.broadcast %mul3A_106 : f32 to vector<16xf32>
      %mul3A_403 = arith.mulf %gather3A_389, %mul3A_402 : vector<16xf32>
      %mul3A_404 = vector.broadcast %mul3A_113 : f32 to vector<16xf32>
      %mul3A_405 = arith.mulf %gather3A_390, %mul3A_404 : vector<16xf32>
      %add3A_406 = vector.broadcast %mul3A_120 : f32 to vector<16xf32>
      %add3A_407 = arith.addf %mul3A_405, %add3A_406 : vector<16xf32>
      %add3A_408 = arith.addf %mul3A_403, %add3A_407 : vector<16xf32>
      %mul3A_409 = vector.broadcast %mul3A_135 : f32 to vector<16xf32>
      %mul3A_410 = arith.mulf %gather3A_389, %mul3A_409 : vector<16xf32>
      %mul3A_411 = vector.broadcast %mul3A_142 : f32 to vector<16xf32>
      %mul3A_412 = arith.mulf %gather3A_390, %mul3A_411 : vector<16xf32>
      %add3A_413 = vector.broadcast %mul3A_149 : f32 to vector<16xf32>
      %add3A_414 = arith.addf %mul3A_412, %add3A_413 : vector<16xf32>
      %add3A_415 = arith.addf %mul3A_410, %add3A_414 : vector<16xf32>
      %mul3A_416 = vector.broadcast %mul3A_164 : f32 to vector<16xf32>
      %mul3A_417 = arith.mulf %gather3A_389, %mul3A_416 : vector<16xf32>
      %mul3A_418 = vector.broadcast %mul3A_171 : f32 to vector<16xf32>
      %mul3A_419 = arith.mulf %gather3A_390, %mul3A_418 : vector<16xf32>
      %add3A_420 = vector.broadcast %mul3A_178 : f32 to vector<16xf32>
      %add3A_421 = arith.addf %mul3A_419, %add3A_420 : vector<16xf32>
      %add3A_422 = arith.addf %mul3A_417, %add3A_421 : vector<16xf32>
      %mul3A_423 = vector.broadcast %mul3A_185 : f32 to vector<16xf32>
      %mul3A_424 = arith.mulf %gather3A_389, %mul3A_423 : vector<16xf32>
      %mul3A_425 = vector.broadcast %mul3A_192 : f32 to vector<16xf32>
      %mul3A_426 = arith.mulf %gather3A_390, %mul3A_425 : vector<16xf32>
      %add3A_427 = vector.broadcast %mul3A_199 : f32 to vector<16xf32>
      %add3A_428 = arith.addf %mul3A_426, %add3A_427 : vector<16xf32>
      %add3A_429 = arith.addf %mul3A_424, %add3A_428 : vector<16xf32>
      %mul3A_430 = arith.mulf %add3A_401, %gather3A : vector<16xf32>
      %mul3A_431 = arith.mulf %add3A_408, %gather3A_386 : vector<16xf32>
      %add3A_432 = arith.addf %mul3A_430, %mul3A_431 : vector<16xf32>
      %mul3A_433 = arith.mulf %add3A_415, %get3A_392 : vector<16xf32>
      %mul3A_434 = arith.mulf %add3A_422, %get3A_394 : vector<16xf32>
      %add3A_435 = arith.addf %mul3A_433, %mul3A_434 : vector<16xf32>
      %add3A_436 = arith.addf %add3A_435, %add3A_429 : vector<16xf32>
      %add3A_437 = arith.addf %add3A_432, %add3A_436 : vector<16xf32>
      %exp3A = math.exp %add3A_437 : vector<16xf32>
      %mul3A_438 = vector.broadcast %mul3A_240 : f32 to vector<16xf32>
      %mul3A_439 = arith.mulf %gather3A_389, %mul3A_438 : vector<16xf32>
      %mul3A_440 = vector.broadcast %mul3A_247 : f32 to vector<16xf32>
      %mul3A_441 = arith.mulf %gather3A_390, %mul3A_440 : vector<16xf32>
      %add3A_442 = vector.broadcast %mul3A_254 : f32 to vector<16xf32>
      %add3A_443 = arith.addf %mul3A_441, %add3A_442 : vector<16xf32>
      %add3A_444 = arith.addf %mul3A_439, %add3A_443 : vector<16xf32>
      %mul3A_445 = vector.broadcast %mul3A_269 : f32 to vector<16xf32>
      %mul3A_446 = arith.mulf %gather3A_389, %mul3A_445 : vector<16xf32>
      %mul3A_447 = vector.broadcast %mul3A_276 : f32 to vector<16xf32>
      %mul3A_448 = arith.mulf %gather3A_390, %mul3A_447 : vector<16xf32>
      %add3A_449 = vector.broadcast %mul3A_283 : f32 to vector<16xf32>
      %add3A_450 = arith.addf %mul3A_448, %add3A_449 : vector<16xf32>
      %add3A_451 = arith.addf %mul3A_446, %add3A_450 : vector<16xf32>
      %mul3A_452 = vector.broadcast %mul3A_298 : f32 to vector<16xf32>
      %mul3A_453 = arith.mulf %gather3A_389, %mul3A_452 : vector<16xf32>
      %mul3A_454 = vector.broadcast %mul3A_305 : f32 to vector<16xf32>
      %mul3A_455 = arith.mulf %gather3A_390, %mul3A_454 : vector<16xf32>
      %add3A_456 = vector.broadcast %mul3A_312 : f32 to vector<16xf32>
      %add3A_457 = arith.addf %mul3A_455, %add3A_456 : vector<16xf32>
      %add3A_458 = arith.addf %mul3A_453, %add3A_457 : vector<16xf32>
      %mul3A_459 = vector.broadcast %mul3A_327 : f32 to vector<16xf32>
      %mul3A_460 = arith.mulf %gather3A_389, %mul3A_459 : vector<16xf32>
      %mul3A_461 = vector.broadcast %mul3A_334 : f32 to vector<16xf32>
      %mul3A_462 = arith.mulf %gather3A_390, %mul3A_461 : vector<16xf32>
      %add3A_463 = vector.broadcast %mul3A_341 : f32 to vector<16xf32>
      %add3A_464 = arith.addf %mul3A_462, %add3A_463 : vector<16xf32>
      %add3A_465 = arith.addf %mul3A_460, %add3A_464 : vector<16xf32>
      %mul3A_466 = vector.broadcast %mul3A_348 : f32 to vector<16xf32>
      %mul3A_467 = arith.mulf %gather3A_389, %mul3A_466 : vector<16xf32>
      %mul3A_468 = vector.broadcast %mul3A_355 : f32 to vector<16xf32>
      %mul3A_469 = arith.mulf %gather3A_390, %mul3A_468 : vector<16xf32>
      %add3A_470 = vector.broadcast %mul3A_362 : f32 to vector<16xf32>
      %add3A_471 = arith.addf %mul3A_469, %add3A_470 : vector<16xf32>
      %add3A_472 = arith.addf %mul3A_467, %add3A_471 : vector<16xf32>
      %mul3A_473 = arith.mulf %add3A_444, %gather3A : vector<16xf32>
      %mul3A_474 = arith.mulf %add3A_451, %gather3A_386 : vector<16xf32>
      %add3A_475 = arith.addf %mul3A_473, %mul3A_474 : vector<16xf32>
      %mul3A_476 = arith.mulf %add3A_458, %get3A_392 : vector<16xf32>
      %mul3A_477 = arith.mulf %add3A_465, %get3A_394 : vector<16xf32>
      %add3A_478 = arith.addf %mul3A_476, %mul3A_477 : vector<16xf32>
      %add3A_479 = arith.addf %add3A_478, %add3A_472 : vector<16xf32>
      %add3A_480 = arith.addf %add3A_475, %add3A_479 : vector<16xf32>
      %exp3A_481 = math.exp %add3A_480 : vector<16xf32>
      %scatter3A = arith.constant 0 : i32
      %scatter3A_482 = tpu.memref_slice %arg21[%scatter3A] : memref<10240xf32, #tpu.memory_space<vmem>> -> memref<1024xf32, #tpu.memory_space<vmem>>
      tpu.vector_store_idx %scatter3A_482[%get3A_385], %exp3A {add = true} : memref<1024xf32, #tpu.memory_space<vmem>>[vector<16xi32>], vector<16xf32>,
      %mul3A_483 = arith.mulf %exp3A, %gather3A : vector<16xf32>
      %scatter3A_484 = arith.constant 1024 : i32
      %scatter3A_485 = tpu.memref_slice %arg21[%scatter3A_484] : memref<10240xf32, #tpu.memory_space<vmem>> -> memref<1024xf32, #tpu.memory_space<vmem>>
      tpu.vector_store_idx %scatter3A_485[%get3A_385], %mul3A_483 {add = true} : memref<1024xf32, #tpu.memory_space<vmem>>[vector<16xi32>], vector<16xf32>,
      %mul3A_486 = arith.mulf %exp3A, %gather3A_386 : vector<16xf32>
      %scatter3A_487 = arith.constant 2048 : i32
      %scatter3A_488 = tpu.memref_slice %arg21[%scatter3A_487] : memref<10240xf32, #tpu.memory_space<vmem>> -> memref<1024xf32, #tpu.memory_space<vmem>>
      tpu.vector_store_idx %scatter3A_488[%get3A_385], %mul3A_486 {add = true} : memref<1024xf32, #tpu.memory_space<vmem>>[vector<16xi32>], vector<16xf32>,
      %mul3A_489 = arith.mulf %exp3A, %get3A_392 : vector<16xf32>
      %scatter3A_490 = arith.constant 3072 : i32
      %scatter3A_491 = tpu.memref_slice %arg21[%scatter3A_490] : memref<10240xf32, #tpu.memory_space<vmem>> -> memref<1024xf32, #tpu.memory_space<vmem>>
      tpu.vector_store_idx %scatter3A_491[%get3A_385], %mul3A_489 {add = true} : memref<1024xf32, #tpu.memory_space<vmem>>[vector<16xi32>], vector<16xf32>,
      %mul3A_492 = arith.mulf %exp3A, %get3A_394 : vector<16xf32>
      %scatter3A_493 = arith.constant 4096 : i32
      %scatter3A_494 = tpu.memref_slice %arg21[%scatter3A_493] : memref<10240xf32, #tpu.memory_space<vmem>> -> memref<1024xf32, #tpu.memory_space<vmem>>
      tpu.vector_store_idx %scatter3A_494[%get3A_385], %mul3A_492 {add = true} : memref<1024xf32, #tpu.memory_space<vmem>>[vector<16xi32>], vector<16xf32>,
      %scatter3A_495 = arith.constant 5120 : i32
      %scatter3A_496 = tpu.memref_slice %arg21[%scatter3A_495] : memref<10240xf32, #tpu.memory_space<vmem>> -> memref<1024xf32, #tpu.memory_space<vmem>>
      tpu.vector_store_idx %scatter3A_496[%get3A_385], %exp3A_481 {add = true} : memref<1024xf32, #tpu.memory_space<vmem>>[vector<16xi32>], vector<16xf32>,
      %mul3A_497 = arith.mulf %exp3A_481, %gather3A : vector<16xf32>
      %scatter3A_498 = arith.constant 6144 : i32
      %scatter3A_499 = tpu.memref_slice %arg21[%scatter3A_498] : memref<10240xf32, #tpu.memory_space<vmem>> -> memref<1024xf32, #tpu.memory_space<vmem>>
      tpu.vector_store_idx %scatter3A_499[%get3A_385], %mul3A_497 {add = true} : memref<1024xf32, #tpu.memory_space<vmem>>[vector<16xi32>], vector<16xf32>,
      %mul3A_500 = arith.mulf %exp3A_481, %gather3A_386 : vector<16xf32>
      %scatter3A_501 = arith.constant 7168 : i32
      %scatter3A_502 = tpu.memref_slice %arg21[%scatter3A_501] : memref<10240xf32, #tpu.memory_space<vmem>> -> memref<1024xf32, #tpu.memory_space<vmem>>
      tpu.vector_store_idx %scatter3A_502[%get3A_385], %mul3A_500 {add = true} : memref<1024xf32, #tpu.memory_space<vmem>>[vector<16xi32>], vector<16xf32>,
      %mul3A_503 = arith.mulf %exp3A_481, %get3A_392 : vector<16xf32>
      %scatter3A_504 = arith.constant 8192 : i32
      %scatter3A_505 = tpu.memref_slice %arg21[%scatter3A_504] : memref<10240xf32, #tpu.memory_space<vmem>> -> memref<1024xf32, #tpu.memory_space<vmem>>
      tpu.vector_store_idx %scatter3A_505[%get3A_385], %mul3A_503 {add = true} : memref<1024xf32, #tpu.memory_space<vmem>>[vector<16xi32>], vector<16xf32>,
      %mul3A_506 = arith.mulf %exp3A_481, %get3A_394 : vector<16xf32>
      %scatter3A_507 = arith.constant 9216 : i32
      %scatter3A_508 = tpu.memref_slice %arg21[%scatter3A_507] : memref<10240xf32, #tpu.memory_space<vmem>> -> memref<1024xf32, #tpu.memory_space<vmem>>
      tpu.vector_store_idx %scatter3A_508[%get3A_385], %mul3A_506 {add = true} : memref<1024xf32, #tpu.memory_space<vmem>>[vector<16xi32>], vector<16xf32>,
      %add3A_509 = arith.constant 16 : i32
      %add3A_510 = arith.addi %mul3A_379, %add3A_509 : i32
      %get3A_511 = arith.index_cast %add3A_510 : i32 to index
      %get3A_512 = tpu.vector_load %arg22[%get3A_511] {strides = array<i32>} : memref<8192xi32, #tpu.memory_space<vmem>>, vector<16xi32>,
      %get3A_513 = arith.index_cast %add3A_510 : i32 to index
      %get3A_514 = tpu.vector_load %arg23[%get3A_513] {strides = array<i32>} : memref<8192xi32, #tpu.memory_space<vmem>>, vector<16xi32>,
      %gather3A_515 = tpu.vector_load_idx %arg14[%get3A_512] : memref<4096xf32, #tpu.memory_space<vmem>>[vector<16xi32>], vector<16xf32>,
      %gather3A_516 = tpu.vector_load_idx %arg15[%get3A_512] : memref<4096xf32, #tpu.memory_space<vmem>>[vector<16xi32>], vector<16xf32>,
      %add3A_517 = vector.broadcast %mul3A_364 : i32 to vector<16xi32>
      %add3A_518 = arith.addi %add3A_517, %get3A_514 : vector<16xi32>
      %gather3A_519 = tpu.vector_load_idx %arg14[%add3A_518] : memref<4096xf32, #tpu.memory_space<vmem>>[vector<16xi32>], vector<16xf32>,
      %gather3A_520 = tpu.vector_load_idx %arg15[%add3A_518] : memref<4096xf32, #tpu.memory_space<vmem>>[vector<16xi32>], vector<16xf32>,
      %get3A_521 = arith.index_cast %add3A_510 : i32 to index
      %get3A_522 = tpu.vector_load %arg24[%get3A_521] {strides = array<i32>} : memref<8192xf32, #tpu.memory_space<vmem>>, vector<16xf32>,
      %get3A_523 = arith.index_cast %add3A_510 : i32 to index
      %get3A_524 = tpu.vector_load %arg25[%get3A_523] {strides = array<i32>} : memref<8192xf32, #tpu.memory_space<vmem>>, vector<16xf32>,
      %mul3A_525 = vector.broadcast %mul3A_77 : f32 to vector<16xf32>
      %mul3A_526 = arith.mulf %gather3A_519, %mul3A_525 : vector<16xf32>
      %mul3A_527 = vector.broadcast %mul3A_84 : f32 to vector<16xf32>
      %mul3A_528 = arith.mulf %gather3A_520, %mul3A_527 : vector<16xf32>
      %add3A_529 = vector.broadcast %mul3A_91 : f32 to vector<16xf32>
      %add3A_530 = arith.addf %mul3A_528, %add3A_529 : vector<16xf32>
      %add3A_531 = arith.addf %mul3A_526, %add3A_530 : vector<16xf32>
      %mul3A_532 = vector.broadcast %mul3A_106 : f32 to vector<16xf32>
      %mul3A_533 = arith.mulf %gather3A_519, %mul3A_532 : vector<16xf32>
      %mul3A_534 = vector.broadcast %mul3A_113 : f32 to vector<16xf32>
      %mul3A_535 = arith.mulf %gather3A_520, %mul3A_534 : vector<16xf32>
      %add3A_536 = vector.broadcast %mul3A_120 : f32 to vector<16xf32>
      %add3A_537 = arith.addf %mul3A_535, %add3A_536 : vector<16xf32>
      %add3A_538 = arith.addf %mul3A_533, %add3A_537 : vector<16xf32>
      %mul3A_539 = vector.broadcast %mul3A_135 : f32 to vector<16xf32>
      %mul3A_540 = arith.mulf %gather3A_519, %mul3A_539 : vector<16xf32>
      %mul3A_541 = vector.broadcast %mul3A_142 : f32 to vector<16xf32>
      %mul3A_542 = arith.mulf %gather3A_520, %mul3A_541 : vector<16xf32>
      %add3A_543 = vector.broadcast %mul3A_149 : f32 to vector<16xf32>
      %add3A_544 = arith.addf %mul3A_542, %add3A_543 : vector<16xf32>
      %add3A_545 = arith.addf %mul3A_540, %add3A_544 : vector<16xf32>
      %mul3A_546 = vector.broadcast %mul3A_164 : f32 to vector<16xf32>
      %mul3A_547 = arith.mulf %gather3A_519, %mul3A_546 : vector<16xf32>
      %mul3A_548 = vector.broadcast %mul3A_171 : f32 to vector<16xf32>
      %mul3A_549 = arith.mulf %gather3A_520, %mul3A_548 : vector<16xf32>
      %add3A_550 = vector.broadcast %mul3A_178 : f32 to vector<16xf32>
      %add3A_551 = arith.addf %mul3A_549, %add3A_550 : vector<16xf32>
      %add3A_552 = arith.addf %mul3A_547, %add3A_551 : vector<16xf32>
      %mul3A_553 = vector.broadcast %mul3A_185 : f32 to vector<16xf32>
      %mul3A_554 = arith.mulf %gather3A_519, %mul3A_553 : vector<16xf32>
      %mul3A_555 = vector.broadcast %mul3A_192 : f32 to vector<16xf32>
      %mul3A_556 = arith.mulf %gather3A_520, %mul3A_555 : vector<16xf32>
      %add3A_557 = vector.broadcast %mul3A_199 : f32 to vector<16xf32>
      %add3A_558 = arith.addf %mul3A_556, %add3A_557 : vector<16xf32>
      %add3A_559 = arith.addf %mul3A_554, %add3A_558 : vector<16xf32>
      %mul3A_560 = arith.mulf %add3A_531, %gather3A_515 : vector<16xf32>
      %mul3A_561 = arith.mulf %add3A_538, %gather3A_516 : vector<16xf32>
      %add3A_562 = arith.addf %mul3A_560, %mul3A_561 : vector<16xf32>
      %mul3A_563 = arith.mulf %add3A_545, %get3A_522 : vector<16xf32>
      %mul3A_564 = arith.mulf %add3A_552, %get3A_524 : vector<16xf32>
      %add3A_565 = arith.addf %mul3A_563, %mul3A_564 : vector<16xf32>
      %add3A_566 = arith.addf %add3A_565, %add3A_559 : vector<16xf32>
      %add3A_567 = arith.addf %add3A_562, %add3A_566 : vector<16xf32>
      %exp3A_568 = math.exp %add3A_567 : vector<16xf32>
      %mul3A_569 = vector.broadcast %mul3A_240 : f32 to vector<16xf32>
      %mul3A_570 = arith.mulf %gather3A_519, %mul3A_569 : vector<16xf32>
      %mul3A_571 = vector.broadcast %mul3A_247 : f32 to vector<16xf32>
      %mul3A_572 = arith.mulf %gather3A_520, %mul3A_571 : vector<16xf32>
      %add3A_573 = vector.broadcast %mul3A_254 : f32 to vector<16xf32>
      %add3A_574 = arith.addf %mul3A_572, %add3A_573 : vector<16xf32>
      %add3A_575 = arith.addf %mul3A_570, %add3A_574 : vector<16xf32>
      %mul3A_576 = vector.broadcast %mul3A_269 : f32 to vector<16xf32>
      %mul3A_577 = arith.mulf %gather3A_519, %mul3A_576 : vector<16xf32>
      %mul3A_578 = vector.broadcast %mul3A_276 : f32 to vector<16xf32>
      %mul3A_579 = arith.mulf %gather3A_520, %mul3A_578 : vector<16xf32>
      %add3A_580 = vector.broadcast %mul3A_283 : f32 to vector<16xf32>
      %add3A_581 = arith.addf %mul3A_579, %add3A_580 : vector<16xf32>
      %add3A_582 = arith.addf %mul3A_577, %add3A_581 : vector<16xf32>
      %mul3A_583 = vector.broadcast %mul3A_298 : f32 to vector<16xf32>
      %mul3A_584 = arith.mulf %gather3A_519, %mul3A_583 : vector<16xf32>
      %mul3A_585 = vector.broadcast %mul3A_305 : f32 to vector<16xf32>
      %mul3A_586 = arith.mulf %gather3A_520, %mul3A_585 : vector<16xf32>
      %add3A_587 = vector.broadcast %mul3A_312 : f32 to vector<16xf32>
      %add3A_588 = arith.addf %mul3A_586, %add3A_587 : vector<16xf32>
      %add3A_589 = arith.addf %mul3A_584, %add3A_588 : vector<16xf32>
      %mul3A_590 = vector.broadcast %mul3A_327 : f32 to vector<16xf32>
      %mul3A_591 = arith.mulf %gather3A_519, %mul3A_590 : vector<16xf32>
      %mul3A_592 = vector.broadcast %mul3A_334 : f32 to vector<16xf32>
      %mul3A_593 = arith.mulf %gather3A_520, %mul3A_592 : vector<16xf32>
      %add3A_594 = vector.broadcast %mul3A_341 : f32 to vector<16xf32>
      %add3A_595 = arith.addf %mul3A_593, %add3A_594 : vector<16xf32>
      %add3A_596 = arith.addf %mul3A_591, %add3A_595 : vector<16xf32>
      %mul3A_597 = vector.broadcast %mul3A_348 : f32 to vector<16xf32>
      %mul3A_598 = arith.mulf %gather3A_519, %mul3A_597 : vector<16xf32>
      %mul3A_599 = vector.broadcast %mul3A_355 : f32 to vector<16xf32>
      %mul3A_600 = arith.mulf %gather3A_520, %mul3A_599 : vector<16xf32>
      %add3A_601 = vector.broadcast %mul3A_362 : f32 to vector<16xf32>
      %add3A_602 = arith.addf %mul3A_600, %add3A_601 : vector<16xf32>
      %add3A_603 = arith.addf %mul3A_598, %add3A_602 : vector<16xf32>
      %mul3A_604 = arith.mulf %add3A_575, %gather3A_515 : vector<16xf32>
      %mul3A_605 = arith.mulf %add3A_582, %gather3A_516 : vector<16xf32>
      %add3A_606 = arith.addf %mul3A_604, %mul3A_605 : vector<16xf32>
      %mul3A_607 = arith.mulf %add3A_589, %get3A_522 : vector<16xf32>
      %mul3A_608 = arith.mulf %add3A_596, %get3A_524 : vector<16xf32>
      %add3A_609 = arith.addf %mul3A_607, %mul3A_608 : vector<16xf32>
      %add3A_610 = arith.addf %add3A_609, %add3A_603 : vector<16xf32>
      %add3A_611 = arith.addf %add3A_606, %add3A_610 : vector<16xf32>
      %exp3A_612 = math.exp %add3A_611 : vector<16xf32>
      %scatter3A_613 = arith.constant 0 : i32
      %scatter3A_614 = tpu.memref_slice %arg21[%scatter3A_613] : memref<10240xf32, #tpu.memory_space<vmem>> -> memref<1024xf32, #tpu.memory_space<vmem>>
      tpu.vector_store_idx %scatter3A_614[%get3A_514], %exp3A_568 {add = true} : memref<1024xf32, #tpu.memory_space<vmem>>[vector<16xi32>], vector<16xf32>,
      %mul3A_615 = arith.mulf %exp3A_568, %gather3A_515 : vector<16xf32>
      %scatter3A_616 = arith.constant 1024 : i32
      %scatter3A_617 = tpu.memref_slice %arg21[%scatter3A_616] : memref<10240xf32, #tpu.memory_space<vmem>> -> memref<1024xf32, #tpu.memory_space<vmem>>
      tpu.vector_store_idx %scatter3A_617[%get3A_514], %mul3A_615 {add = true} : memref<1024xf32, #tpu.memory_space<vmem>>[vector<16xi32>], vector<16xf32>,
      %mul3A_618 = arith.mulf %exp3A_568, %gather3A_516 : vector<16xf32>
      %scatter3A_619 = arith.constant 2048 : i32
      %scatter3A_620 = tpu.memref_slice %arg21[%scatter3A_619] : memref<10240xf32, #tpu.memory_space<vmem>> -> memref<1024xf32, #tpu.memory_space<vmem>>
      tpu.vector_store_idx %scatter3A_620[%get3A_514], %mul3A_618 {add = true} : memref<1024xf32, #tpu.memory_space<vmem>>[vector<16xi32>], vector<16xf32>,
      %mul3A_621 = arith.mulf %exp3A_568, %get3A_522 : vector<16xf32>
      %scatter3A_622 = arith.constant 3072 : i32
      %scatter3A_623 = tpu.memref_slice %arg21[%scatter3A_622] : memref<10240xf32, #tpu.memory_space<vmem>> -> memref<1024xf32, #tpu.memory_space<vmem>>
      tpu.vector_store_idx %scatter3A_623[%get3A_514], %mul3A_621 {add = true} : memref<1024xf32, #tpu.memory_space<vmem>>[vector<16xi32>], vector<16xf32>,
      %mul3A_624 = arith.mulf %exp3A_568, %get3A_524 : vector<16xf32>
      %scatter3A_625 = arith.constant 4096 : i32
      %scatter3A_626 = tpu.memref_slice %arg21[%scatter3A_625] : memref<10240xf32, #tpu.memory_space<vmem>> -> memref<1024xf32, #tpu.memory_space<vmem>>
      tpu.vector_store_idx %scatter3A_626[%get3A_514], %mul3A_624 {add = true} : memref<1024xf32, #tpu.memory_space<vmem>>[vector<16xi32>], vector<16xf32>,
      %scatter3A_627 = arith.constant 5120 : i32
      %scatter3A_628 = tpu.memref_slice %arg21[%scatter3A_627] : memref<10240xf32, #tpu.memory_space<vmem>> -> memref<1024xf32, #tpu.memory_space<vmem>>
      tpu.vector_store_idx %scatter3A_628[%get3A_514], %exp3A_612 {add = true} : memref<1024xf32, #tpu.memory_space<vmem>>[vector<16xi32>], vector<16xf32>,
      %mul3A_629 = arith.mulf %exp3A_612, %gather3A_515 : vector<16xf32>
      %scatter3A_630 = arith.constant 6144 : i32
      %scatter3A_631 = tpu.memref_slice %arg21[%scatter3A_630] : memref<10240xf32, #tpu.memory_space<vmem>> -> memref<1024xf32, #tpu.memory_space<vmem>>
      tpu.vector_store_idx %scatter3A_631[%get3A_514], %mul3A_629 {add = true} : memref<1024xf32, #tpu.memory_space<vmem>>[vector<16xi32>], vector<16xf32>,
      %mul3A_632 = arith.mulf %exp3A_612, %gather3A_516 : vector<16xf32>
      %scatter3A_633 = arith.constant 7168 : i32
      %scatter3A_634 = tpu.memref_slice %arg21[%scatter3A_633] : memref<10240xf32, #tpu.memory_space<vmem>> -> memref<1024xf32, #tpu.memory_space<vmem>>
      tpu.vector_store_idx %scatter3A_634[%get3A_514], %mul3A_632 {add = true} : memref<1024xf32, #tpu.memory_space<vmem>>[vector<16xi32>], vector<16xf32>,
      %mul3A_635 = arith.mulf %exp3A_612, %get3A_522 : vector<16xf32>
      %scatter3A_636 = arith.constant 8192 : i32
      %scatter3A_637 = tpu.memref_slice %arg21[%scatter3A_636] : memref<10240xf32, #tpu.memory_space<vmem>> -> memref<1024xf32, #tpu.memory_space<vmem>>
      tpu.vector_store_idx %scatter3A_637[%get3A_514], %mul3A_635 {add = true} : memref<1024xf32, #tpu.memory_space<vmem>>[vector<16xi32>], vector<16xf32>,
      %mul3A_638 = arith.mulf %exp3A_612, %get3A_524 : vector<16xf32>
      %scatter3A_639 = arith.constant 9216 : i32
      %scatter3A_640 = tpu.memref_slice %arg21[%scatter3A_639] : memref<10240xf32, #tpu.memory_space<vmem>> -> memref<1024xf32, #tpu.memory_space<vmem>>
      tpu.vector_store_idx %scatter3A_640[%get3A_514], %mul3A_638 {add = true} : memref<1024xf32, #tpu.memory_space<vmem>>[vector<16xi32>], vector<16xf32>,
      %add3A_641 = arith.constant 32 : i32
      %add3A_642 = arith.addi %mul3A_379, %add3A_641 : i32
      %get3A_643 = arith.index_cast %add3A_642 : i32 to index
      %get3A_644 = tpu.vector_load %arg22[%get3A_643] {strides = array<i32>} : memref<8192xi32, #tpu.memory_space<vmem>>, vector<16xi32>,
      %get3A_645 = arith.index_cast %add3A_642 : i32 to index
      %get3A_646 = tpu.vector_load %arg23[%get3A_645] {strides = array<i32>} : memref<8192xi32, #tpu.memory_space<vmem>>, vector<16xi32>,
      %gather3A_647 = tpu.vector_load_idx %arg14[%get3A_644] : memref<4096xf32, #tpu.memory_space<vmem>>[vector<16xi32>], vector<16xf32>,
      %gather3A_648 = tpu.vector_load_idx %arg15[%get3A_644] : memref<4096xf32, #tpu.memory_space<vmem>>[vector<16xi32>], vector<16xf32>,
      %add3A_649 = vector.broadcast %mul3A_364 : i32 to vector<16xi32>
      %add3A_650 = arith.addi %add3A_649, %get3A_646 : vector<16xi32>
      %gather3A_651 = tpu.vector_load_idx %arg14[%add3A_650] : memref<4096xf32, #tpu.memory_space<vmem>>[vector<16xi32>], vector<16xf32>,
      %gather3A_652 = tpu.vector_load_idx %arg15[%add3A_650] : memref<4096xf32, #tpu.memory_space<vmem>>[vector<16xi32>], vector<16xf32>,
      %get3A_653 = arith.index_cast %add3A_642 : i32 to index
      %get3A_654 = tpu.vector_load %arg24[%get3A_653] {strides = array<i32>} : memref<8192xf32, #tpu.memory_space<vmem>>, vector<16xf32>,
      %get3A_655 = arith.index_cast %add3A_642 : i32 to index
      %get3A_656 = tpu.vector_load %arg25[%get3A_655] {strides = array<i32>} : memref<8192xf32, #tpu.memory_space<vmem>>, vector<16xf32>,
      %mul3A_657 = vector.broadcast %mul3A_77 : f32 to vector<16xf32>
      %mul3A_658 = arith.mulf %gather3A_651, %mul3A_657 : vector<16xf32>
      %mul3A_659 = vector.broadcast %mul3A_84 : f32 to vector<16xf32>
      %mul3A_660 = arith.mulf %gather3A_652, %mul3A_659 : vector<16xf32>
      %add3A_661 = vector.broadcast %mul3A_91 : f32 to vector<16xf32>
      %add3A_662 = arith.addf %mul3A_660, %add3A_661 : vector<16xf32>
      %add3A_663 = arith.addf %mul3A_658, %add3A_662 : vector<16xf32>
      %mul3A_664 = vector.broadcast %mul3A_106 : f32 to vector<16xf32>
      %mul3A_665 = arith.mulf %gather3A_651, %mul3A_664 : vector<16xf32>
      %mul3A_666 = vector.broadcast %mul3A_113 : f32 to vector<16xf32>
      %mul3A_667 = arith.mulf %gather3A_652, %mul3A_666 : vector<16xf32>
      %add3A_668 = vector.broadcast %mul3A_120 : f32 to vector<16xf32>
      %add3A_669 = arith.addf %mul3A_667, %add3A_668 : vector<16xf32>
      %add3A_670 = arith.addf %mul3A_665, %add3A_669 : vector<16xf32>
      %mul3A_671 = vector.broadcast %mul3A_135 : f32 to vector<16xf32>
      %mul3A_672 = arith.mulf %gather3A_651, %mul3A_671 : vector<16xf32>
      %mul3A_673 = vector.broadcast %mul3A_142 : f32 to vector<16xf32>
      %mul3A_674 = arith.mulf %gather3A_652, %mul3A_673 : vector<16xf32>
      %add3A_675 = vector.broadcast %mul3A_149 : f32 to vector<16xf32>
      %add3A_676 = arith.addf %mul3A_674, %add3A_675 : vector<16xf32>
      %add3A_677 = arith.addf %mul3A_672, %add3A_676 : vector<16xf32>
      %mul3A_678 = vector.broadcast %mul3A_164 : f32 to vector<16xf32>
      %mul3A_679 = arith.mulf %gather3A_651, %mul3A_678 : vector<16xf32>
      %mul3A_680 = vector.broadcast %mul3A_171 : f32 to vector<16xf32>
      %mul3A_681 = arith.mulf %gather3A_652, %mul3A_680 : vector<16xf32>
      %add3A_682 = vector.broadcast %mul3A_178 : f32 to vector<16xf32>
      %add3A_683 = arith.addf %mul3A_681, %add3A_682 : vector<16xf32>
      %add3A_684 = arith.addf %mul3A_679, %add3A_683 : vector<16xf32>
      %mul3A_685 = vector.broadcast %mul3A_185 : f32 to vector<16xf32>
      %mul3A_686 = arith.mulf %gather3A_651, %mul3A_685 : vector<16xf32>
      %mul3A_687 = vector.broadcast %mul3A_192 : f32 to vector<16xf32>
      %mul3A_688 = arith.mulf %gather3A_652, %mul3A_687 : vector<16xf32>
      %add3A_689 = vector.broadcast %mul3A_199 : f32 to vector<16xf32>
      %add3A_690 = arith.addf %mul3A_688, %add3A_689 : vector<16xf32>
      %add3A_691 = arith.addf %mul3A_686, %add3A_690 : vector<16xf32>
      %mul3A_692 = arith.mulf %add3A_663, %gather3A_647 : vector<16xf32>
      %mul3A_693 = arith.mulf %add3A_670, %gather3A_648 : vector<16xf32>
      %add3A_694 = arith.addf %mul3A_692, %mul3A_693 : vector<16xf32>
      %mul3A_695 = arith.mulf %add3A_677, %get3A_654 : vector<16xf32>
      %mul3A_696 = arith.mulf %add3A_684, %get3A_656 : vector<16xf32>
      %add3A_697 = arith.addf %mul3A_695, %mul3A_696 : vector<16xf32>
      %add3A_698 = arith.addf %add3A_697, %add3A_691 : vector<16xf32>
      %add3A_699 = arith.addf %add3A_694, %add3A_698 : vector<16xf32>
      %exp3A_700 = math.exp %add3A_699 : vector<16xf32>
      %mul3A_701 = vector.broadcast %mul3A_240 : f32 to vector<16xf32>
      %mul3A_702 = arith.mulf %gather3A_651, %mul3A_701 : vector<16xf32>
      %mul3A_703 = vector.broadcast %mul3A_247 : f32 to vector<16xf32>
      %mul3A_704 = arith.mulf %gather3A_652, %mul3A_703 : vector<16xf32>
      %add3A_705 = vector.broadcast %mul3A_254 : f32 to vector<16xf32>
      %add3A_706 = arith.addf %mul3A_704, %add3A_705 : vector<16xf32>
      %add3A_707 = arith.addf %mul3A_702, %add3A_706 : vector<16xf32>
      %mul3A_708 = vector.broadcast %mul3A_269 : f32 to vector<16xf32>
      %mul3A_709 = arith.mulf %gather3A_651, %mul3A_708 : vector<16xf32>
      %mul3A_710 = vector.broadcast %mul3A_276 : f32 to vector<16xf32>
      %mul3A_711 = arith.mulf %gather3A_652, %mul3A_710 : vector<16xf32>
      %add3A_712 = vector.broadcast %mul3A_283 : f32 to vector<16xf32>
      %add3A_713 = arith.addf %mul3A_711, %add3A_712 : vector<16xf32>
      %add3A_714 = arith.addf %mul3A_709, %add3A_713 : vector<16xf32>
      %mul3A_715 = vector.broadcast %mul3A_298 : f32 to vector<16xf32>
      %mul3A_716 = arith.mulf %gather3A_651, %mul3A_715 : vector<16xf32>
      %mul3A_717 = vector.broadcast %mul3A_305 : f32 to vector<16xf32>
      %mul3A_718 = arith.mulf %gather3A_652, %mul3A_717 : vector<16xf32>
      %add3A_719 = vector.broadcast %mul3A_312 : f32 to vector<16xf32>
      %add3A_720 = arith.addf %mul3A_718, %add3A_719 : vector<16xf32>
      %add3A_721 = arith.addf %mul3A_716, %add3A_720 : vector<16xf32>
      %mul3A_722 = vector.broadcast %mul3A_327 : f32 to vector<16xf32>
      %mul3A_723 = arith.mulf %gather3A_651, %mul3A_722 : vector<16xf32>
      %mul3A_724 = vector.broadcast %mul3A_334 : f32 to vector<16xf32>
      %mul3A_725 = arith.mulf %gather3A_652, %mul3A_724 : vector<16xf32>
      %add3A_726 = vector.broadcast %mul3A_341 : f32 to vector<16xf32>
      %add3A_727 = arith.addf %mul3A_725, %add3A_726 : vector<16xf32>
      %add3A_728 = arith.addf %mul3A_723, %add3A_727 : vector<16xf32>
      %mul3A_729 = vector.broadcast %mul3A_348 : f32 to vector<16xf32>
      %mul3A_730 = arith.mulf %gather3A_651, %mul3A_729 : vector<16xf32>
      %mul3A_731 = vector.broadcast %mul3A_355 : f32 to vector<16xf32>
      %mul3A_732 = arith.mulf %gather3A_652, %mul3A_731 : vector<16xf32>
      %add3A_733 = vector.broadcast %mul3A_362 : f32 to vector<16xf32>
      %add3A_734 = arith.addf %mul3A_732, %add3A_733 : vector<16xf32>
      %add3A_735 = arith.addf %mul3A_730, %add3A_734 : vector<16xf32>
      %mul3A_736 = arith.mulf %add3A_707, %gather3A_647 : vector<16xf32>
      %mul3A_737 = arith.mulf %add3A_714, %gather3A_648 : vector<16xf32>
      %add3A_738 = arith.addf %mul3A_736, %mul3A_737 : vector<16xf32>
      %mul3A_739 = arith.mulf %add3A_721, %get3A_654 : vector<16xf32>
      %mul3A_740 = arith.mulf %add3A_728, %get3A_656 : vector<16xf32>
      %add3A_741 = arith.addf %mul3A_739, %mul3A_740 : vector<16xf32>
      %add3A_742 = arith.addf %add3A_741, %add3A_735 : vector<16xf32>
      %add3A_743 = arith.addf %add3A_738, %add3A_742 : vector<16xf32>
      %exp3A_744 = math.exp %add3A_743 : vector<16xf32>
      %scatter3A_745 = arith.constant 0 : i32
      %scatter3A_746 = tpu.memref_slice %arg21[%scatter3A_745] : memref<10240xf32, #tpu.memory_space<vmem>> -> memref<1024xf32, #tpu.memory_space<vmem>>
      tpu.vector_store_idx %scatter3A_746[%get3A_646], %exp3A_700 {add = true} : memref<1024xf32, #tpu.memory_space<vmem>>[vector<16xi32>], vector<16xf32>,
      %mul3A_747 = arith.mulf %exp3A_700, %gather3A_647 : vector<16xf32>
      %scatter3A_748 = arith.constant 1024 : i32
      %scatter3A_749 = tpu.memref_slice %arg21[%scatter3A_748] : memref<10240xf32, #tpu.memory_space<vmem>> -> memref<1024xf32, #tpu.memory_space<vmem>>
      tpu.vector_store_idx %scatter3A_749[%get3A_646], %mul3A_747 {add = true} : memref<1024xf32, #tpu.memory_space<vmem>>[vector<16xi32>], vector<16xf32>,
      %mul3A_750 = arith.mulf %exp3A_700, %gather3A_648 : vector<16xf32>
      %scatter3A_751 = arith.constant 2048 : i32
      %scatter3A_752 = tpu.memref_slice %arg21[%scatter3A_751] : memref<10240xf32, #tpu.memory_space<vmem>> -> memref<1024xf32, #tpu.memory_space<vmem>>
      tpu.vector_store_idx %scatter3A_752[%get3A_646], %mul3A_750 {add = true} : memref<1024xf32, #tpu.memory_space<vmem>>[vector<16xi32>], vector<16xf32>,
      %mul3A_753 = arith.mulf %exp3A_700, %get3A_654 : vector<16xf32>
      %scatter3A_754 = arith.constant 3072 : i32
      %scatter3A_755 = tpu.memref_slice %arg21[%scatter3A_754] : memref<10240xf32, #tpu.memory_space<vmem>> -> memref<1024xf32, #tpu.memory_space<vmem>>
      tpu.vector_store_idx %scatter3A_755[%get3A_646], %mul3A_753 {add = true} : memref<1024xf32, #tpu.memory_space<vmem>>[vector<16xi32>], vector<16xf32>,
      %mul3A_756 = arith.mulf %exp3A_700, %get3A_656 : vector<16xf32>
      %scatter3A_757 = arith.constant 4096 : i32
      %scatter3A_758 = tpu.memref_slice %arg21[%scatter3A_757] : memref<10240xf32, #tpu.memory_space<vmem>> -> memref<1024xf32, #tpu.memory_space<vmem>>
      tpu.vector_store_idx %scatter3A_758[%get3A_646], %mul3A_756 {add = true} : memref<1024xf32, #tpu.memory_space<vmem>>[vector<16xi32>], vector<16xf32>,
      %scatter3A_759 = arith.constant 5120 : i32
      %scatter3A_760 = tpu.memref_slice %arg21[%scatter3A_759] : memref<10240xf32, #tpu.memory_space<vmem>> -> memref<1024xf32, #tpu.memory_space<vmem>>
      tpu.vector_store_idx %scatter3A_760[%get3A_646], %exp3A_744 {add = true} : memref<1024xf32, #tpu.memory_space<vmem>>[vector<16xi32>], vector<16xf32>,
      %mul3A_761 = arith.mulf %exp3A_744, %gather3A_647 : vector<16xf32>
      %scatter3A_762 = arith.constant 6144 : i32
      %scatter3A_763 = tpu.memref_slice %arg21[%scatter3A_762] : memref<10240xf32, #tpu.memory_space<vmem>> -> memref<1024xf32, #tpu.memory_space<vmem>>
      tpu.vector_store_idx %scatter3A_763[%get3A_646], %mul3A_761 {add = true} : memref<1024xf32, #tpu.memory_space<vmem>>[vector<16xi32>], vector<16xf32>,
      %mul3A_764 = arith.mulf %exp3A_744, %gather3A_648 : vector<16xf32>
      %scatter3A_765 = arith.constant 7168 : i32
      %scatter3A_766 = tpu.memref_slice %arg21[%scatter3A_765] : memref<10240xf32, #tpu.memory_space<vmem>> -> memref<1024xf32, #tpu.memory_space<vmem>>
      tpu.vector_store_idx %scatter3A_766[%get3A_646], %mul3A_764 {add = true} : memref<1024xf32, #tpu.memory_space<vmem>>[vector<16xi32>], vector<16xf32>,
      %mul3A_767 = arith.mulf %exp3A_744, %get3A_654 : vector<16xf32>
      %scatter3A_768 = arith.constant 8192 : i32
      %scatter3A_769 = tpu.memref_slice %arg21[%scatter3A_768] : memref<10240xf32, #tpu.memory_space<vmem>> -> memref<1024xf32, #tpu.memory_space<vmem>>
      tpu.vector_store_idx %scatter3A_769[%get3A_646], %mul3A_767 {add = true} : memref<1024xf32, #tpu.memory_space<vmem>>[vector<16xi32>], vector<16xf32>,
      %mul3A_770 = arith.mulf %exp3A_744, %get3A_656 : vector<16xf32>
      %scatter3A_771 = arith.constant 9216 : i32
      %scatter3A_772 = tpu.memref_slice %arg21[%scatter3A_771] : memref<10240xf32, #tpu.memory_space<vmem>> -> memref<1024xf32, #tpu.memory_space<vmem>>
      tpu.vector_store_idx %scatter3A_772[%get3A_646], %mul3A_770 {add = true} : memref<1024xf32, #tpu.memory_space<vmem>>[vector<16xi32>], vector<16xf32>,
      %add3A_773 = arith.constant 48 : i32
      %add3A_774 = arith.addi %mul3A_379, %add3A_773 : i32
      %get3A_775 = arith.index_cast %add3A_774 : i32 to index
      %get3A_776 = tpu.vector_load %arg22[%get3A_775] {strides = array<i32>} : memref<8192xi32, #tpu.memory_space<vmem>>, vector<16xi32>,
      %get3A_777 = arith.index_cast %add3A_774 : i32 to index
      %get3A_778 = tpu.vector_load %arg23[%get3A_777] {strides = array<i32>} : memref<8192xi32, #tpu.memory_space<vmem>>, vector<16xi32>,
      %gather3A_779 = tpu.vector_load_idx %arg14[%get3A_776] : memref<4096xf32, #tpu.memory_space<vmem>>[vector<16xi32>], vector<16xf32>,
      %gather3A_780 = tpu.vector_load_idx %arg15[%get3A_776] : memref<4096xf32, #tpu.memory_space<vmem>>[vector<16xi32>], vector<16xf32>,
      %add3A_781 = vector.broadcast %mul3A_364 : i32 to vector<16xi32>
      %add3A_782 = arith.addi %add3A_781, %get3A_778 : vector<16xi32>
      %gather3A_783 = tpu.vector_load_idx %arg14[%add3A_782] : memref<4096xf32, #tpu.memory_space<vmem>>[vector<16xi32>], vector<16xf32>,
      %gather3A_784 = tpu.vector_load_idx %arg15[%add3A_782] : memref<4096xf32, #tpu.memory_space<vmem>>[vector<16xi32>], vector<16xf32>,
      %get3A_785 = arith.index_cast %add3A_774 : i32 to index
      %get3A_786 = tpu.vector_load %arg24[%get3A_785] {strides = array<i32>} : memref<8192xf32, #tpu.memory_space<vmem>>, vector<16xf32>,
      %get3A_787 = arith.index_cast %add3A_774 : i32 to index
      %get3A_788 = tpu.vector_load %arg25[%get3A_787] {strides = array<i32>} : memref<8192xf32, #tpu.memory_space<vmem>>, vector<16xf32>,
      %mul3A_789 = vector.broadcast %mul3A_77 : f32 to vector<16xf32>
      %mul3A_790 = arith.mulf %gather3A_783, %mul3A_789 : vector<16xf32>
      %mul3A_791 = vector.broadcast %mul3A_84 : f32 to vector<16xf32>
      %mul3A_792 = arith.mulf %gather3A_784, %mul3A_791 : vector<16xf32>
      %add3A_793 = vector.broadcast %mul3A_91 : f32 to vector<16xf32>
      %add3A_794 = arith.addf %mul3A_792, %add3A_793 : vector<16xf32>
      %add3A_795 = arith.addf %mul3A_790, %add3A_794 : vector<16xf32>
      %mul3A_796 = vector.broadcast %mul3A_106 : f32 to vector<16xf32>
      %mul3A_797 = arith.mulf %gather3A_783, %mul3A_796 : vector<16xf32>
      %mul3A_798 = vector.broadcast %mul3A_113 : f32 to vector<16xf32>
      %mul3A_799 = arith.mulf %gather3A_784, %mul3A_798 : vector<16xf32>
      %add3A_800 = vector.broadcast %mul3A_120 : f32 to vector<16xf32>
      %add3A_801 = arith.addf %mul3A_799, %add3A_800 : vector<16xf32>
      %add3A_802 = arith.addf %mul3A_797, %add3A_801 : vector<16xf32>
      %mul3A_803 = vector.broadcast %mul3A_135 : f32 to vector<16xf32>
      %mul3A_804 = arith.mulf %gather3A_783, %mul3A_803 : vector<16xf32>
      %mul3A_805 = vector.broadcast %mul3A_142 : f32 to vector<16xf32>
      %mul3A_806 = arith.mulf %gather3A_784, %mul3A_805 : vector<16xf32>
      %add3A_807 = vector.broadcast %mul3A_149 : f32 to vector<16xf32>
      %add3A_808 = arith.addf %mul3A_806, %add3A_807 : vector<16xf32>
      %add3A_809 = arith.addf %mul3A_804, %add3A_808 : vector<16xf32>
      %mul3A_810 = vector.broadcast %mul3A_164 : f32 to vector<16xf32>
      %mul3A_811 = arith.mulf %gather3A_783, %mul3A_810 : vector<16xf32>
      %mul3A_812 = vector.broadcast %mul3A_171 : f32 to vector<16xf32>
      %mul3A_813 = arith.mulf %gather3A_784, %mul3A_812 : vector<16xf32>
      %add3A_814 = vector.broadcast %mul3A_178 : f32 to vector<16xf32>
      %add3A_815 = arith.addf %mul3A_813, %add3A_814 : vector<16xf32>
      %add3A_816 = arith.addf %mul3A_811, %add3A_815 : vector<16xf32>
      %mul3A_817 = vector.broadcast %mul3A_185 : f32 to vector<16xf32>
      %mul3A_818 = arith.mulf %gather3A_783, %mul3A_817 : vector<16xf32>
      %mul3A_819 = vector.broadcast %mul3A_192 : f32 to vector<16xf32>
      %mul3A_820 = arith.mulf %gather3A_784, %mul3A_819 : vector<16xf32>
      %add3A_821 = vector.broadcast %mul3A_199 : f32 to vector<16xf32>
      %add3A_822 = arith.addf %mul3A_820, %add3A_821 : vector<16xf32>
      %add3A_823 = arith.addf %mul3A_818, %add3A_822 : vector<16xf32>
      %mul3A_824 = arith.mulf %add3A_795, %gather3A_779 : vector<16xf32>
      %mul3A_825 = arith.mulf %add3A_802, %gather3A_780 : vector<16xf32>
      %add3A_826 = arith.addf %mul3A_824, %mul3A_825 : vector<16xf32>
      %mul3A_827 = arith.mulf %add3A_809, %get3A_786 : vector<16xf32>
      %mul3A_828 = arith.mulf %add3A_816, %get3A_788 : vector<16xf32>
      %add3A_829 = arith.addf %mul3A_827, %mul3A_828 : vector<16xf32>
      %add3A_830 = arith.addf %add3A_829, %add3A_823 : vector<16xf32>
      %add3A_831 = arith.addf %add3A_826, %add3A_830 : vector<16xf32>
      %exp3A_832 = math.exp %add3A_831 : vector<16xf32>
      %mul3A_833 = vector.broadcast %mul3A_240 : f32 to vector<16xf32>
      %mul3A_834 = arith.mulf %gather3A_783, %mul3A_833 : vector<16xf32>
      %mul3A_835 = vector.broadcast %mul3A_247 : f32 to vector<16xf32>
      %mul3A_836 = arith.mulf %gather3A_784, %mul3A_835 : vector<16xf32>
      %add3A_837 = vector.broadcast %mul3A_254 : f32 to vector<16xf32>
      %add3A_838 = arith.addf %mul3A_836, %add3A_837 : vector<16xf32>
      %add3A_839 = arith.addf %mul3A_834, %add3A_838 : vector<16xf32>
      %mul3A_840 = vector.broadcast %mul3A_269 : f32 to vector<16xf32>
      %mul3A_841 = arith.mulf %gather3A_783, %mul3A_840 : vector<16xf32>
      %mul3A_842 = vector.broadcast %mul3A_276 : f32 to vector<16xf32>
      %mul3A_843 = arith.mulf %gather3A_784, %mul3A_842 : vector<16xf32>
      %add3A_844 = vector.broadcast %mul3A_283 : f32 to vector<16xf32>
      %add3A_845 = arith.addf %mul3A_843, %add3A_844 : vector<16xf32>
      %add3A_846 = arith.addf %mul3A_841, %add3A_845 : vector<16xf32>
      %mul3A_847 = vector.broadcast %mul3A_298 : f32 to vector<16xf32>
      %mul3A_848 = arith.mulf %gather3A_783, %mul3A_847 : vector<16xf32>
      %mul3A_849 = vector.broadcast %mul3A_305 : f32 to vector<16xf32>
      %mul3A_850 = arith.mulf %gather3A_784, %mul3A_849 : vector<16xf32>
      %add3A_851 = vector.broadcast %mul3A_312 : f32 to vector<16xf32>
      %add3A_852 = arith.addf %mul3A_850, %add3A_851 : vector<16xf32>
      %add3A_853 = arith.addf %mul3A_848, %add3A_852 : vector<16xf32>
      %mul3A_854 = vector.broadcast %mul3A_327 : f32 to vector<16xf32>
      %mul3A_855 = arith.mulf %gather3A_783, %mul3A_854 : vector<16xf32>
      %mul3A_856 = vector.broadcast %mul3A_334 : f32 to vector<16xf32>
      %mul3A_857 = arith.mulf %gather3A_784, %mul3A_856 : vector<16xf32>
      %add3A_858 = vector.broadcast %mul3A_341 : f32 to vector<16xf32>
      %add3A_859 = arith.addf %mul3A_857, %add3A_858 : vector<16xf32>
      %add3A_860 = arith.addf %mul3A_855, %add3A_859 : vector<16xf32>
      %mul3A_861 = vector.broadcast %mul3A_348 : f32 to vector<16xf32>
      %mul3A_862 = arith.mulf %gather3A_783, %mul3A_861 : vector<16xf32>
      %mul3A_863 = vector.broadcast %mul3A_355 : f32 to vector<16xf32>
      %mul3A_864 = arith.mulf %gather3A_784, %mul3A_863 : vector<16xf32>
      %add3A_865 = vector.broadcast %mul3A_362 : f32 to vector<16xf32>
      %add3A_866 = arith.addf %mul3A_864, %add3A_865 : vector<16xf32>
      %add3A_867 = arith.addf %mul3A_862, %add3A_866 : vector<16xf32>
      %mul3A_868 = arith.mulf %add3A_839, %gather3A_779 : vector<16xf32>
      %mul3A_869 = arith.mulf %add3A_846, %gather3A_780 : vector<16xf32>
      %add3A_870 = arith.addf %mul3A_868, %mul3A_869 : vector<16xf32>
      %mul3A_871 = arith.mulf %add3A_853, %get3A_786 : vector<16xf32>
      %mul3A_872 = arith.mulf %add3A_860, %get3A_788 : vector<16xf32>
      %add3A_873 = arith.addf %mul3A_871, %mul3A_872 : vector<16xf32>
      %add3A_874 = arith.addf %add3A_873, %add3A_867 : vector<16xf32>
      %add3A_875 = arith.addf %add3A_870, %add3A_874 : vector<16xf32>
      %exp3A_876 = math.exp %add3A_875 : vector<16xf32>
      %scatter3A_877 = arith.constant 0 : i32
      %scatter3A_878 = tpu.memref_slice %arg21[%scatter3A_877] : memref<10240xf32, #tpu.memory_space<vmem>> -> memref<1024xf32, #tpu.memory_space<vmem>>
      tpu.vector_store_idx %scatter3A_878[%get3A_778], %exp3A_832 {add = true} : memref<1024xf32, #tpu.memory_space<vmem>>[vector<16xi32>], vector<16xf32>,
      %mul3A_879 = arith.mulf %exp3A_832, %gather3A_779 : vector<16xf32>
      %scatter3A_880 = arith.constant 1024 : i32
      %scatter3A_881 = tpu.memref_slice %arg21[%scatter3A_880] : memref<10240xf32, #tpu.memory_space<vmem>> -> memref<1024xf32, #tpu.memory_space<vmem>>
      tpu.vector_store_idx %scatter3A_881[%get3A_778], %mul3A_879 {add = true} : memref<1024xf32, #tpu.memory_space<vmem>>[vector<16xi32>], vector<16xf32>,
      %mul3A_882 = arith.mulf %exp3A_832, %gather3A_780 : vector<16xf32>
      %scatter3A_883 = arith.constant 2048 : i32
      %scatter3A_884 = tpu.memref_slice %arg21[%scatter3A_883] : memref<10240xf32, #tpu.memory_space<vmem>> -> memref<1024xf32, #tpu.memory_space<vmem>>
      tpu.vector_store_idx %scatter3A_884[%get3A_778], %mul3A_882 {add = true} : memref<1024xf32, #tpu.memory_space<vmem>>[vector<16xi32>], vector<16xf32>,
      %mul3A_885 = arith.mulf %exp3A_832, %get3A_786 : vector<16xf32>
      %scatter3A_886 = arith.constant 3072 : i32
      %scatter3A_887 = tpu.memref_slice %arg21[%scatter3A_886] : memref<10240xf32, #tpu.memory_space<vmem>> -> memref<1024xf32, #tpu.memory_space<vmem>>
      tpu.vector_store_idx %scatter3A_887[%get3A_778], %mul3A_885 {add = true} : memref<1024xf32, #tpu.memory_space<vmem>>[vector<16xi32>], vector<16xf32>,
      %mul3A_888 = arith.mulf %exp3A_832, %get3A_788 : vector<16xf32>
      %scatter3A_889 = arith.constant 4096 : i32
      %scatter3A_890 = tpu.memref_slice %arg21[%scatter3A_889] : memref<10240xf32, #tpu.memory_space<vmem>> -> memref<1024xf32, #tpu.memory_space<vmem>>
      tpu.vector_store_idx %scatter3A_890[%get3A_778], %mul3A_888 {add = true} : memref<1024xf32, #tpu.memory_space<vmem>>[vector<16xi32>], vector<16xf32>,
      %scatter3A_891 = arith.constant 5120 : i32
      %scatter3A_892 = tpu.memref_slice %arg21[%scatter3A_891] : memref<10240xf32, #tpu.memory_space<vmem>> -> memref<1024xf32, #tpu.memory_space<vmem>>
      tpu.vector_store_idx %scatter3A_892[%get3A_778], %exp3A_876 {add = true} : memref<1024xf32, #tpu.memory_space<vmem>>[vector<16xi32>], vector<16xf32>,
      %mul3A_893 = arith.mulf %exp3A_876, %gather3A_779 : vector<16xf32>
      %scatter3A_894 = arith.constant 6144 : i32
      %scatter3A_895 = tpu.memref_slice %arg21[%scatter3A_894] : memref<10240xf32, #tpu.memory_space<vmem>> -> memref<1024xf32, #tpu.memory_space<vmem>>
      tpu.vector_store_idx %scatter3A_895[%get3A_778], %mul3A_893 {add = true} : memref<1024xf32, #tpu.memory_space<vmem>>[vector<16xi32>], vector<16xf32>,
      %mul3A_896 = arith.mulf %exp3A_876, %gather3A_780 : vector<16xf32>
      %scatter3A_897 = arith.constant 7168 : i32
      %scatter3A_898 = tpu.memref_slice %arg21[%scatter3A_897] : memref<10240xf32, #tpu.memory_space<vmem>> -> memref<1024xf32, #tpu.memory_space<vmem>>
      tpu.vector_store_idx %scatter3A_898[%get3A_778], %mul3A_896 {add = true} : memref<1024xf32, #tpu.memory_space<vmem>>[vector<16xi32>], vector<16xf32>,
      %mul3A_899 = arith.mulf %exp3A_876, %get3A_786 : vector<16xf32>
      %scatter3A_900 = arith.constant 8192 : i32
      %scatter3A_901 = tpu.memref_slice %arg21[%scatter3A_900] : memref<10240xf32, #tpu.memory_space<vmem>> -> memref<1024xf32, #tpu.memory_space<vmem>>
      tpu.vector_store_idx %scatter3A_901[%get3A_778], %mul3A_899 {add = true} : memref<1024xf32, #tpu.memory_space<vmem>>[vector<16xi32>], vector<16xf32>,
      %mul3A_902 = arith.mulf %exp3A_876, %get3A_788 : vector<16xf32>
      %scatter3A_903 = arith.constant 9216 : i32
      %scatter3A_904 = tpu.memref_slice %arg21[%scatter3A_903] : memref<10240xf32, #tpu.memory_space<vmem>> -> memref<1024xf32, #tpu.memory_space<vmem>>
      tpu.vector_store_idx %scatter3A_904[%get3A_778], %mul3A_902 {add = true} : memref<1024xf32, #tpu.memory_space<vmem>>[vector<16xi32>], vector<16xf32>,
    }
    %scan3A_376 = arith.constant 128 : i32
    "tpu.region"() ({
      %run_scoped3A = tpu.sem_alloc : memref<!tpu.dma_semaphore, #tpu.memory_space<semaphore_mem>>
      %dma_start3A = arith.constant 0 : i32
      %dma_start3A_377 = tpu.memref_slice %arg13[%add3A, %dma_start3A] : memref<32x10240xf32, #tpu.memory_space<hbm>> -> memref<1x10240xf32, #tpu.memory_space<hbm>>
      %dma_start3A_378 = tpu.memref_squeeze %dma_start3A_377 : memref<1x10240xf32, #tpu.memory_space<hbm>> -> memref<10240xf32, #tpu.memory_space<hbm>>
      %dma_start3A_379 = arith.constant 0 : i32
      %dma_start3A_380 = tpu.memref_slice %arg13[%add3A, %dma_start3A_379] : memref<32x10240xf32, #tpu.memory_space<hbm>> -> memref<1x10240xf32, #tpu.memory_space<hbm>>
      %dma_start3A_381 = tpu.memref_squeeze %dma_start3A_380 : memref<1x10240xf32, #tpu.memory_space<hbm>> -> memref<10240xf32, #tpu.memory_space<hbm>>
      tpu.enqueue_dma source(%arg21 : memref<10240xf32, #tpu.memory_space<vmem>>) target(%dma_start3A_381 : memref<10240xf32, #tpu.memory_space<hbm>>) target_semaphore(%run_scoped3A : memref<!tpu.dma_semaphore, #tpu.memory_space<semaphore_mem>>)
      %dma_wait3A = arith.constant 0 : i32
      %dma_wait3A_382 = tpu.memref_slice %arg13[%add3A, %dma_wait3A] : memref<32x10240xf32, #tpu.memory_space<hbm>> -> memref<1x10240xf32, #tpu.memory_space<hbm>>
      %dma_wait3A_383 = tpu.memref_squeeze %dma_wait3A_382 : memref<1x10240xf32, #tpu.memory_space<hbm>> -> memref<10240xf32, #tpu.memory_space<hbm>>
      %dma_wait3A_384 = arith.constant 0 : i32
      %dma_wait3A_385 = tpu.memref_slice %arg13[%add3A, %dma_wait3A_384] : memref<32x10240xf32, #tpu.memory_space<hbm>> -> memref<1x10240xf32, #tpu.memory_space<hbm>>
      %dma_wait3A_386 = tpu.memref_squeeze %dma_wait3A_385 : memref<1x10240xf32, #tpu.memory_space<hbm>> -> memref<10240xf32, #tpu.memory_space<hbm>>
      tpu.wait_dma2 semaphore(%run_scoped3A : memref<!tpu.dma_semaphore, #tpu.memory_space<semaphore_mem>>) src(%arg21 : memref<10240xf32, #tpu.memory_space<vmem>>) dst(%dma_wait3A_386 : memref<10240xf32, #tpu.memory_space<hbm>>)
      tpu.yield
    }) : () -> ()
    return
  }
}

</mosaic_0001>

<sc_bundles>
// kernel: _sc_edge.3.cloned.1.call-start
scs
__scs_entry_jumppad:
0x0: {  	(pc) =	sbr.rel $0x88, $3  }
0x1: {  	(tag) =	ssettag $0x0;
	lr =	simm.s32 $0x1  }
0x2: {  	[smem:$0x3F96] =	sst lr;
	_ =	strace $0xD0000000  }
0x3: {  	_ = 	snop  }
0x4: {  	_ = 	snop  }
0x5: {  	_ = 	snop  }
0x6: {  	_ = 	snop  }
0x7: {  	_ = 	snop  }
__scs_overlays_trampoline_lowered:
0x8: {  	[smem:$0x3FA5] =	sst s0  }
0x9: {  	[smem:$0x3FA6] =	sst s1  }
0xa: {  	[smem:$0x3FA7] =	sst s2  }
0xb: {  	[smem:$0x3FA8] =	sst s3  }
0xc: {  	[smem:$0x3FA9] =	sst s4  }
0xd: {  	[smem:$0x3FAA] =	sst s5  }
0xe: {  	[smem:$0x3FAB] =	sst s6  }
0xf: {  	[smem:$0x3FAC] =	sst s7  }
0x10: {  	[smem:$0x3FAD] =	sst s8  }
0x11: {  	[smem:$0x3FAE] =	sst s9;
	s0 =	simm.s32 @!p0 $0x0  }
0x12: {  	s1 =	sld [smem:$0x3F94];
	s0 =	simm.s32 @p0 $0x1  }
0x13: {  	[smem:$0x3FAF] =	sst s0;
	s0 =	simm.s32 @!p1 $0x0  }
0x14: {  	s2 =	sld [smem:$0x3F93];
	s0 =	simm.s32 @p1 $0x1  }
0x15: {  	[smem:$0x3FB0] =	sst s0;
	s0 =	simm.s32 @!p2 $0x0  }
0x16: {  	s3 =	sld [smem:$0x3FDB];
	s0 =	simm.s32 @p2 $0x1  }
0x17: {  	s4 =	simm.s32 $0x1BF5;
	[smem:$0x3FB2] =	sst s0  }
0x18: {  	s0 =	sld [smem:$0x3F95];
	_ =	swait.ge [sflag:s4], $0x0  }
0x19: {  	s7 =	sld [smem:$0x3F96]  }
0x1a: {  	s8 =	sadd.s32 $0xFFFFE003, lr  }
0x1b: {  	s9 =	sadd.s32 $0xFFFFFEF7, lr;
	s5 =	simm.s32 $0xFFFFFFFF;
	p2 =	slt.u32 s8, $0xFFFFF086  }
0x1c: {  	p1 =	slt.u32 s9, $0xF7A;
	s5 =	simm.s32 @!p2 $0x0  }
0x1d: {  	s5 =	simm.s32 @p1 $0x1;
	p0 =	seq.s32 s7, s2  }
0x1e: {  	s7 =	smul.u32 @!p0 $0xF7A, s2;
	p2 =	seq.s32 @!p0 s5, $0x0  }
0x1f: {  	s9 =	smul.u32 $0xF7A, s1;
	s8 =	simm.s32 @!p0 $0x1BF5;
	p2 =	por !p2, p0  }
0x20: {  	[sflag:s8] =	ssyncset.s32 @!p0 $0xFFFFF086;
	s6 =	sadd.s32 @!p0 s3, s7;
	s7 =	simm.s32 @!p0 $0x108  }
0x21: {  	s3 =	sadd.s32 s3, s9;
	s6 =	sadd.s32 @!p0 $0x88, s6;
	s7 =	simm.s32 @p2 $0x1082  }
0x22: {  	[simem:s7], [sflag:s8] =	dma.local @!p0 [hbm:s6], $0xF7A  }
0x23: {  	s9 =	sor.u32 $0xD0000000, s2;
	s6 =	simm.s32 $0x108;
	_ =	swait.ge @!p0 [sflag:s8], $0x0  }
0x24: {  	s3 =	sadd.s32 $0x88, s3;
	s6 =	simm.s32 @!p1 $0x1082;
	[sflag:s4] =	ssyncset.s32 $0xFFFFF086  }
0x25: {  	[simem:s6], [sflag:s4] =	dma.local [hbm:s3], $0xF7A  }
0x26: {  	[smem:$0x3F96] =	sst s1;
	(tag) =	ssettag s2;
	_ =	strace s9  }
0x27: {  	s1 =	sld [smem:$0x3FA6]  }
0x28: {  	s2 =	sld [smem:$0x3FA7]  }
0x29: {  	s4 =	sld [smem:$0x3FA9]  }
0x2a: {  	p0 =	seq.s32 s5, $0x0;
	s5 =	sld [smem:$0x3FAA]  }
0x2b: {  	s6 =	sld [smem:$0x3FAB]  }
0x2c: {  	s7 =	sld [smem:$0x3FAC]  }
0x2d: {  	s3 =	simm.s32 $0x108;
	s8 =	sld [smem:$0x3FAD]  }
0x2e: {  	s3 =	simm.s32 @!p0 $0x1082;
	s9 =	sld [smem:$0x3FAE]  }
0x2f: {  	lr =	sadd.s32 s0, s3;
	s0 =	sld [smem:$0x3FA5]  }
0x30: {  	s3 =	sld [smem:$0x3FA8]  }
0x31: {  	[smem:$0x3FB1] =	sst s10  }
0x32: {  	s10 =	sld [smem:$0x3FAF];
	_ =	sdelay $0x3  }
0x33: {  	p0 =	seq.s32 s10, $0x1;
	s10 =	sld [smem:$0x3FB1];
	_ =	sdelay $0x3  }
0x34: {  	[smem:$0x3FB1] =	sst s10  }
0x35: {  	s10 =	sld [smem:$0x3FB0];
	_ =	sdelay $0x3  }
0x36: {  	p1 =	seq.s32 s10, $0x1;
	s10 =	sld [smem:$0x3FB1];
	_ =	sdelay $0x3  }
0x37: {  	[smem:$0x3FB1] =	sst s10  }
0x38: {  	s10 =	sld [smem:$0x3FB2]  }
0x39: {  	_ = 	snop;
	(pc) =	sbr.ind lr, $3  }
0x3a: {  	_ = 	snop  }
0x3b: {  	_ = 	snop  }
0x3c: {  	p2 =	seq.s32 s10, $0x1;
	s10 =	sld [smem:$0x3FB1]  }
0x3d: {  	_ =	shalt  }
0x3e: {  	_ =	shalt  }
0x3f: {  	_ =	shalt  }
0x40: {  	_ =	shalt  }
0x41: {  	_ =	shalt  }
0x42: {  	_ =	shalt  }
0x43: {  	_ =	shalt  }
0x44: {  	_ =	shalt  }
0x45: {  	_ =	shalt  }
0x46: {  	_ =	shalt  }
0x47: {  	_ =	shalt  }
0x48: {  	_ =	shalt  }
0x49: {  	_ =	shalt  }
0x4a: {  	_ =	shalt  }
0x4b: {  	_ =	shalt  }
0x4c: {  	_ =	shalt  }
0x4d: {  	_ =	shalt  }
0x4e: {  	_ =	shalt  }
0x4f: {  	_ =	shalt  }
0x50: {  	_ =	shalt  }
0x51: {  	_ =	shalt  }
0x52: {  	_ =	shalt  }
0x53: {  	_ =	shalt  }
0x54: {  	_ =	shalt  }
0x55: {  	_ =	shalt  }
0x56: {  	_ =	shalt  }
0x57: {  	_ =	shalt  }
0x58: {  	_ =	shalt  }
0x59: {  	_ =	shalt  }
0x5a: {  	_ =	shalt  }
0x5b: {  	_ =	shalt  }
0x5c: {  	_ =	shalt  }
0x5d: {  	_ =	shalt  }
0x5e: {  	_ =	shalt  }
0x5f: {  	_ =	shalt  }
0x60: {  	_ =	shalt  }
0x61: {  	_ =	shalt  }
0x62: {  	_ =	shalt  }
0x63: {  	_ =	shalt  }
0x64: {  	_ =	shalt  }
0x65: {  	_ =	shalt  }
0x66: {  	_ =	shalt  }
0x67: {  	_ =	shalt  }
0x68: {  	_ =	shalt  }
0x69: {  	_ =	shalt  }
0x6a: {  	_ =	shalt  }
0x6b: {  	_ =	shalt  }
0x6c: {  	_ =	shalt  }
0x6d: {  	_ =	shalt  }
0x6e: {  	_ =	shalt  }
0x6f: {  	_ =	shalt  }
0x70: {  	_ =	shalt  }
0x71: {  	_ =	shalt  }
0x72: {  	_ =	shalt  }
0x73: {  	_ =	shalt  }
0x74: {  	_ =	shalt  }
0x75: {  	_ =	shalt  }
0x76: {  	_ =	shalt  }
0x77: {  	_ =	shalt  }
0x78: {  	_ =	shalt  }
0x79: {  	_ =	shalt  }
0x7a: {  	_ =	shalt  }
0x7b: {  	_ =	shalt  }
0x7c: {  	_ =	shalt  }
0x7d: {  	_ =	shalt  }
0x7e: {  	_ =	shalt  }
0x7f: {  	_ =	shalt  }
0x80: {  	_ =	shalt  }
0x81: {  	_ =	shalt  }
0x82: {  	_ =	shalt  }
0x83: {  	_ =	shalt  }
0x84: {  	_ =	shalt  }
0x85: {  	_ =	shalt  }
0x86: {  	_ =	shalt  }
0x87: {  	_ =	shalt  }
.Lfunc_end0:
.L_simem_size_0:
called_computation_lowered:
.L_overlay_start_0:
0x88: {  	s2 =	sld [smem:$0x3FD9]  }
0x89: {  	s3 =	sld [smem:$0x3FFE];
	_ =	sdelay $0x1  }
0x8a: {  	s1 =	srdreg.scid  }
0x8b: {  	s0 =	sand.u32 $0x1, s1  }
0x8c: {  	s18 =	sshll.u32 s0, $0xA;
	s2 =	sadd.s32 s3, s2  }
0x8d: {  	s2 =	sadd.s32 s2, s18  }
0x8e: {  	[smem:$0x3FBD] =	sst s2  }
0x8f: {  	_ = 	snop  }
0x90: {  	s2 =	sld [smem:$0x3FC9]  }
0x91: {  	s19 =	sld [smem:$0x3FC8]  }
0x92: {  	s4 =	sld [smem:$0x3FC7]  }
0x93: {  	s5 =	sld [smem:$0x3FC6]  }
0x94: {  	s6 =	sld [smem:$0x3FC5]  }
0x95: {  	s7 =	sld [smem:$0x3FC4]  }
0x96: {  	s8 =	sld [smem:$0x3FC3]  }
0x97: {  	s9 =	sld [smem:$0x3FC2]  }
0x98: {  	s10 =	sld [smem:$0x3FC1]  }
0x99: {  	s11 =	sld [smem:$0x3FC0]  }
0x9a: {  	s12 =	sld [smem:$0x3FBF]  }
0x9b: {  	s13 =	sld [smem:$0x3FD0];
	(tm) =	ssettm $0x1  }
0x9c: {  	s14 =	sld [smem:$0x3FFB];
	_ =	sdelay $0x3  }
0x9d: {  	_ =	strace s14  }
0x9e: {  	s14 =	sld [smem:$0x3FFC];
	_ =	sdelay $0x3  }
0x9f: {  	_ =	strace s14  }
0xa0: {  	s14 =	sld [smem:$0x3FFD];
	_ =	sdelay $0x3  }
0xa1: {  	_ =	strace s14  }
0xa2: {  	_ =	strace $0x8FFFFFFF  }
0xa3: {  	s20 =	sld [smem:$0x3FDB];
	_ =	sdelay $0x1  }
0xa4: {  	s15 =	simm.s32 $_scs_section_size  }
0xa5: {  	s16 =	simm.s32 $_size__tile_overlayer_lowered;
	s17 =	simm.s32 $_tile_overlayer_lowered  }
0xa6: {  	s23 =	simm.s32 $0x1BFF;
	s22 =	sshll.u32 s17, $0x1;
	s14 =	sadd.s32 s15, s20  }
0xa7: {  	s21 =	sshll.u32 s16, $0x1;
	s18 =	simm.s32 $0x0;
	s16 =	sadd.s32 s22, s14  }
0xa8: {  	[timem:s18], [sflag:s23] =	dma.local [hbm:s16], s21  }
0xa9: {  	_ =	swait.ge [sflag:s23], s21  }
0xaa: {  	s15 =	ssub.s32 $0x0, s21;
	[sflag:s23] =	ssyncset.done $0x0  }
0xab: {  	[sflag:s23] =	ssyncadd.s32 s15;
	_ =	sdelay $0x1  }
0xac: {  	s24 =	simm.s32 $0x1B8B  }
0xad: {  	_ =	swait.ge [sflag:s24], $0x1  }
0xae: {  	[sflag:s24] =	ssyncset.done $0x0  }
0xaf: {  	s25 =	simm.s32 $0x1B8E;
	[sflag:s24] =	ssyncadd.s32 $0xFFFFFFFF  }
0xb0: {  	s26 =	simm.s32 $execute0_lowered;
	[smem:$0x3FD2] =	sst s25  }
0xb1: {  	s15 =	sshll.u32 s26, $0x1;
	_ =	strace $0x80000046;
	[dreg:$0x1] =	wrdreg $0xFFFFFFFF  }
0xb2: {  	s28 =	simm.s32 $_size_execute0_lowered;
	s14 =	sadd.s32 s14, s15;
	[dreg:$0x0] =	wrdreg $0x0  }
0xb3: {  	s15 =	sshll.u32 s28, $0x1;
	[dreg:$0x2] =	wrdreg s14  }
0xb4: {  	[dreg:$0x3] =	wrdreg s15  }
0xb5: {  	[dreg:$0x4] =	wrdreg $0xC0  }
0xb6: {  	_ =	task [dreg:s18], $0x5FFFF  }
0xb7: {  	[dreg:$0x1] =	wrdreg $0xFFFFFFFF  }
0xb8: {  	[dreg:$0x0] =	wrdreg $0x60  }
0xb9: {  	[dreg:$0x2] =	wrdreg s2  }
0xba: {  	[dreg:$0x3] =	wrdreg s19  }
0xbb: {  	[dreg:$0x4] =	wrdreg s4  }
0xbc: {  	[dreg:$0x5] =	wrdreg s5  }
0xbd: {  	[dreg:$0x6] =	wrdreg s6  }
0xbe: {  	[dreg:$0x7] =	wrdreg s7  }
0xbf: {  	[dreg:$0x8] =	wrdreg s8  }
0xc0: {  	[dreg:$0x9] =	wrdreg s9  }
0xc1: {  	[dreg:$0xa] =	wrdreg s10  }
0xc2: {  	[dreg:$0xb] =	wrdreg s11  }
0xc3: {  	[dreg:$0xc] =	wrdreg s12  }
0xc4: {  	[dreg:$0xd] =	wrdreg s13  }
0xc5: {  	[dreg:$0xe] =	wrdreg $0x9  }
0xc6: {  	_ =	task.clear_ibuf [dreg:s18], $0xFFFFF;
	_ =	strace $0x90000046  }
0xc7: {  	s29 =	simm.s32 $0x9;
	_ =	strace $0x80000048  }
0xc8: {  	_ =	swait.ge [sflag:s29], $0x1  }
0xc9: {  	[sflag:s29] =	ssyncadd.s32 $0xFFFFFFFF  }
0xca: {  	_ =	strace $0x90000048  }
0xcb: {  	_ =	sfence  }
0xcc: {  	s30 =	sld [smem:$0x0];
	_ =	sdelay $0x2  }
0xcd: {  	s31 =	sshll.u32 s1, $0xD;
	s1 =	sshrl.u32 s1, $0x2  }
0xce: {  	s3 =	sand.u32 $0x4000, s31;
	s1 =	sadd.s32 s1, s30  }
0xcf: {  	s0 =	sor.u32 s3, s0;
	s1 =	sshll.u32 s1, $0x11  }
0xd0: {  	s0 =	sor.u32 s1, s0  }
0xd1: {  	s0 =	sadd.s32 $0x8F2B, s0  }
0xd2: {  	[sflag:s0] =	ssyncadd.remote.s32 $0x1  }
0xd3: {  	_ =	sfence.sel $0xFFFF  }
0xd4: {  	[dreg:$0x0] =	wrdreg $0xFFFFFFFF;
	(pc) =	sbr.abs _section_cstart, $3  }
0xd5: {  	[dreg:$0x1] =	wrdreg $0xFFFFFFFF  }
0xd6: {  	_ =	task.clear_ibuf [dreg:s18], $0x2FFFF;
	_ =	strace $0x9FFFFFFF  }
0xd7: {  	(tm) =	ssettm $0x7FFFFFFF  }
tec
execute0_lowered:
.L_overlay_start_1:
0x0: {  	(tag) =	ssettag $0x1  }
0x1: {  	s0 =	rddreg [dreg:$0x2]  }
0x2: {  	s1 =	rddreg [dreg:$0x3]  }
0x3: {  	s2 =	rddreg [dreg:$0x4]  }
0x4: {  	s3 =	rddreg [dreg:$0x5]  }
0x5: {  	s4 =	rddreg [dreg:$0xb]  }
0x6: {  	s5 =	srdreg.scid;
	s7 =	stileid.u32  }
0x7: {  	s9 =	simm.s32 $0x0;
	s28 =	simm.s32 $0x4400;
	s29 =	simm.s32 $0x4800  }
0x8: {  	s5 =	sand.u32 $0x1, s5;
	s6 =	sshll.u32 s7, $0x1;
	[smem:$0x7FF] =	sst s9  }
0x9: {  	s7 =	sshrl.u32 s7, $0x2;
	s6 =	sor.u32 s5, s6;
	s5 =	ssub.s32 $0x2, s5  }
0xa: {  	s10 =	sshll.u32 s7, $0x4;
	_ =	strace $0x80000047;
	s21 =	sshll.u32 s7, $0x5  }
0xb: {  	s22 =	smul.u32 $0x14000, s7;
	s30 =	sshll.u32 s7, $0xA;
	s7 =	simm.s32 $0x80  }
0xc: {  	s8 =	sshll.u32 s6, $0xC;
	s11 =	sshrl.u32 s5, $0x1;
	[dreg:$0x11] =	wrdreg s21  }
0xd: {  	s23 =	sshll.u32 s6, $0x7;
	s24 =	sor.u32 $0x10, s21;
	[dreg:$0xd] =	wrdreg s10  }
0xe: {  	s25 =	sor.u32 $0x80, s21;
	s26 =	sor.u32 $0x40, s10;
	[dreg:$0x13] =	wrdreg s24  }
0xf: {  	s6 =	simm.s32 $0x3000;
	s8 =	sand.u32 $0x7000, s8;
	[dreg:$0x14] =	wrdreg s25  }
0x10: {  	s5 =	ssub.s32 s5, s11;
	[dreg:$0x16] =	wrdreg s26;
	s24 =	simm.s32 $0x3800  }
0x11: {  	s25 =	simm.s32 $0x3C00;
	s8 =	sor.u32 s10, s8;
	s31 =	smax.u32 s5, $0x1  }
0x12: {  	s26 =	simm.s32 $0x4000;
	s0 =	sadd.s32 s0, s8;
	[dreg:$0x18] =	wrdreg s31  }
0x13: {  	s5 =	simm.s32 $0x2C00;
	s19 =	sadd.s32 s1, s8;
	[dreg:$0xe] =	wrdreg s0  }
0x14: {  	s20 =	sadd.s32 s2, s8;
	s3 =	sadd.s32 s3, s8;
	[dreg:$0xf] =	wrdreg s19  }
0x15: {  	s1 =	sand.u32 $0x380, s23;
	s2 =	sor.u32 $0x90, s21;
	[dreg:$0x10] =	wrdreg s20  }
0x16: {  	s23 =	simm.s32 $0x1000;
	[dreg:$0x12] =	wrdreg s3;
	s0 =	sor.u32 s22, s1  }
0x17: {  	s8 =	simm.s32 $0x3400;
	[dreg:$0x15] =	wrdreg s2;
	s0 =	sshrl.u32 s0, $0x3  }
0x18: {  	s2 =	simm.s32 $0x1;
	s3 =	simm.s32 $0x2400;
	s0 =	sadd.s32 s4, s0  }
0x19: {  	v1 =	vimm.f32 $0.0e+00;
	v0 =	vmov s30;
	s1 =	simm.s32 $0x0;
	s4 =	simm.s32 $0x2800;
	[dreg:$0x17] =	wrdreg s0  }
.LBB2_1:
0x1a: {  	[dreg:$0x19] =	wrdreg s1  }
0x1b: {  	s0 =	rddreg [dreg:$0x0]  }
0x1c: {  	[tilespmem:s9], [sflag:$0x1] =	stream.linear.gather [hbm4b:s0+s9], $0x1000, $0x38;
	[tilespmem:$0xCC00] =	vst v63  }
0x1d: {  	_ =	swait.ge [sflag:s2], $0x1000  }
0x1e: {  	[sflag:s2] =	ssyncset.done $0x0  }
0x1f: {  	[sflag:s2] =	ssyncadd.s32 $0xFFFFF000  }
0x20: {  	s16 =	rddreg [dreg:$0x1]  }
0x21: {  	[tilespmem:s23], [sflag:$0x1] =	stream.linear.gather [hbm4b:s16+s9], $0x1000, $0x38;
	[tilespmem:$0xCC00] =	vst v63  }
0x22: {  	_ =	swait.ge [sflag:s2], $0x1000  }
0x23: {  	[sflag:s2] =	ssyncset.done $0x0  }
0x24: {  	[sflag:s2] =	ssyncadd.s32 $0xFFFFF000  }
0x25: {  	s18 =	simm.s32 $0x2000;
	s17 =	rddreg [dreg:$0x6]  }
0x26: {  	[tilespmem:s18], [sflag:$0x1] =	stream.linear.gather [hbm4b:s17+s9], $0x100, $0x38;
	[tilespmem:$0xCC00] =	vst v63  }
0x27: {  	_ =	swait.ge [sflag:s2], $0x100  }
0x28: {  	[sflag:s2] =	ssyncset.done $0x0  }
0x29: {  	[sflag:s2] =	ssyncadd.s32 $0xFFFFFF00  }
0x2a: {  	s20 =	simm.s32 $0x2100;
	s19 =	rddreg [dreg:$0x7]  }
0x2b: {  	[tilespmem:s20], [sflag:$0x1] =	stream.linear.gather [hbm4b:s19+s9], $0x100, $0x38;
	[tilespmem:$0xCC00] =	vst v63  }
0x2c: {  	_ =	swait.ge [sflag:s2], $0x100  }
0x2d: {  	[sflag:s2] =	ssyncset.done $0x0  }
0x2e: {  	[sflag:s2] =	ssyncadd.s32 $0xFFFFFF00  }
0x2f: {  	s22 =	simm.s32 $0x2200;
	s21 =	rddreg [dreg:$0x8]  }
0x30: {  	[tilespmem:s22], [sflag:$0x1] =	stream.linear.gather [hbm4b:s21+s9], $0x100, $0x38;
	[tilespmem:$0xCC00] =	vst v63  }
0x31: {  	_ =	swait.ge [sflag:s2], $0x100  }
0x32: {  	[sflag:s2] =	ssyncset.done $0x0  }
0x33: {  	[sflag:s2] =	ssyncadd.s32 $0xFFFFFF00  }
0x34: {  	s31 =	simm.s32 $0x2300;
	s30 =	rddreg [dreg:$0x9]  }
0x35: {  	[tilespmem:s31], [sflag:$0x1] =	stream.linear.gather [hbm4b:s30+s9], $0x80, $0x38;
	[tilespmem:$0xCC00] =	vst v63  }
0x36: {  	_ =	swait.ge [sflag:s2], $0x80  }
0x37: {  	[sflag:s2] =	ssyncset.done $0x0  }
0x38: {  	[sflag:s2] =	ssyncadd.s32 $0xFFFFFF80  }
0x39: {  	s10 =	simm.s32 $0x2380;
	s1 =	rddreg [dreg:$0xa]  }
0x3a: {  	[tilespmem:s10], [sflag:$0x1] =	stream.linear.gather [hbm4b:s1+s9], $0x80, $0x38;
	[tilespmem:$0xCC00] =	vst v63  }
0x3b: {  	_ =	swait.ge [sflag:s2], $0x80  }
0x3c: {  	s12 =	simm.s32 $0x200;
	[sflag:s2] =	ssyncset.done $0x0  }
0x3d: {  	s10 =	simm.s32 $0x4C00;
	s11 =	rddreg [dreg:$0xe];
	[sflag:s2] =	ssyncadd.s32 $0xFFFFFF80  }
0x3e: {  	[tilespmem:s10], [sflag:$0x1] =	stream.strided.gather [hbm4b:s11+s7], $0x2000, s12, s7, $0x38;
	[tilespmem:$0xCC00] =	vst v63  }
0x3f: {  	_ =	swait.ge [sflag:s2], $0x2000  }
0x40: {  	[sflag:s2] =	ssyncset.done $0x0  }
0x41: {  	s14 =	simm.s32 $0x6C00;
	s13 =	rddreg [dreg:$0xf];
	[sflag:s2] =	ssyncadd.s32 $0xFFFFE000  }
0x42: {  	[tilespmem:s14], [sflag:$0x1] =	stream.strided.gather [hbm4b:s13+s7], $0x2000, s12, s7, $0x38;
	[tilespmem:$0xCC00] =	vst v63  }
0x43: {  	_ =	swait.ge [sflag:s2], $0x2000  }
0x44: {  	[sflag:s2] =	ssyncset.done $0x0  }
0x45: {  	s16 =	simm.s32 $0x8C00;
	s15 =	rddreg [dreg:$0x10];
	[sflag:s2] =	ssyncadd.s32 $0xFFFFE000  }
0x46: {  	[tilespmem:s16], [sflag:$0x1] =	stream.strided.gather [hbm4b:s15+s7], $0x2000, s12, s7, $0x38;
	[tilespmem:$0xCC00] =	vst v63  }
0x47: {  	_ =	swait.ge [sflag:s2], $0x2000  }
0x48: {  	[sflag:s2] =	ssyncset.done $0x0  }
0x49: {  	s18 =	simm.s32 $0xAC00;
	s17 =	rddreg [dreg:$0x12];
	[sflag:s2] =	ssyncadd.s32 $0xFFFFE000  }
0x4a: {  	[tilespmem:s18], [sflag:$0x1] =	stream.strided.gather [hbm4b:s17+s7], $0x2000, s12, s7, $0x38;
	[tilespmem:$0xCC00] =	vst v63  }
0x4b: {  	_ =	swait.ge [sflag:s2], $0x2000  }
0x4c: {  	[sflag:s2] =	ssyncset.done $0x0  }
0x4d: {  	s19 =	rddreg [dreg:$0x11];
	[sflag:s2] =	ssyncadd.s32 $0xFFFFE000  }
0x4e: {  	s20 =	rddreg [dreg:$0x13];
	v13 =	vld [tilespmem:s19+$0x2000]  }
0x4f: {  	s21 =	rddreg [dreg:$0xd];
	v12 =	vld [tilespmem:s20+$0x2000]  }
0x50: {  	v10 =	vld [tilespmem:s21+$0x2300]  }
0x51: {  	v11 =	vld [tilespmem:s21+$0x2380]  }
0x52: {  	v17 =	vld [tilespmem:s19+$0x2100]  }
0x53: {  	v16 =	vld [tilespmem:s20+$0x2100]  }
0x54: {  	v15 =	vld [tilespmem:s19+$0x2200]  }
0x55: {  	s22 =	rddreg [dreg:$0x14];
	v14 =	vld [tilespmem:s20+$0x2200]  }
0x56: {  	s30 =	rddreg [dreg:$0x15];
	v5 =	vld [tilespmem:s22+$0x2000]  }
0x57: {  	s31 =	rddreg [dreg:$0x16];
	v4 =	vld [tilespmem:s30+$0x2000]  }
0x58: {  	v2 =	vld [tilespmem:s31+$0x2300]  }
0x59: {  	v3 =	vld [tilespmem:s31+$0x2380]  }
0x5a: {  	v9 =	vld [tilespmem:s22+$0x2100]  }
0x5b: {  	v8 =	vld [tilespmem:s30+$0x2100]  }
0x5c: {  	v7 =	vld [tilespmem:s22+$0x2200]  }
0x5d: {  	s0 =	simm.s32 $0x40;
	s1 =	simm.s32 $0x0;
	v6 =	vld [tilespmem:s30+$0x2200]  }
.LBB2_2:
0x5e: {  	p0 =	seq.s32 s0, $0x9FC0;
	[tilespmem:s1+$0x2400] =	vst v1;
	s1 =	smov.u32 s0;
	s0 =	sadd.s32 $0x40, s0  }
.Ltmp0:
0x5f: {  	(pc) =	sbr.rel @!p0 .LBB2_2-.Ltmp0, $2  }
0x60: {  	_ =	sdelay $0x2  }
0x61: {  	s1 =	sshra.s32 s1, $0x2  }
0x62: {  	v18 =	vmul.f32 v17, v13  }
0x63: {  	v19 =	vmul.f32 v17, v12  }
0x64: {  	v17 =	vmul.f32 v17, v10;
	(xrf2) =	vadd.scan.msk.f32 $0xffff, v18  }
0x65: {  	v18 =	vmul.f32 v16, v13;
	(xrf2) =	vadd.scan.msk.f32 $0xffff, v19  }
0x66: {  	(xrf2) =	vadd.scan.msk.f32 $0xffff, v17;
	v17 =	vmul.f32 v16, v12  }
0x67: {  	v16 =	vmul.f32 v16, v10;
	(xrf2) =	vadd.scan.msk.f32 $0xffff, v18  }
0x68: {  	(xrf2) =	vadd.scan.msk.f32 $0xffff, v17;
	v17 =	vmul.f32 v15, v13  }
0x69: {  	(xrf2) =	vadd.scan.msk.f32 $0xffff, v16;
	v16 =	vmul.f32 v15, v12  }
0x6a: {  	v15 =	vmul.f32 v15, v10;
	(xrf2) =	vadd.scan.msk.f32 $0xffff, v17  }
0x6b: {  	(xrf2) =	vadd.scan.msk.f32 $0xffff, v16;
	v16 =	vmul.f32 v14, v13  }
0x6c: {  	(xrf2) =	vadd.scan.msk.f32 $0xffff, v15;
	v15 =	vmul.f32 v14, v12  }
0x6d: {  	v14 =	vmul.f32 v14, v10;
	_ =	sdelay $0x1  }
0x6e: {  	(xrf2) =	vadd.scan.msk.f32 $0xffff, v16;
	v16, _, _ =	vpop (xrf2)  }
0x6f: {  	v13 =	vmul.f32 v11, v13;
	(xrf2) =	vadd.scan.msk.f32 $0xffff, v15;
	(v2sf) =	vpush v16, $0xF;
	v15, _, _ =	vpop (xrf2)  }
0x70: {  	v12 =	vmul.f32 v11, v12;
	(xrf2) =	vadd.scan.msk.f32 $0xffff, v14;
	(v2sf) =	vpush v15, $0xF;
	v14, _, _ =	vpop (xrf2)  }
0x71: {  	v10 =	vmul.f32 v11, v10;
	(xrf2) =	vadd.scan.msk.f32 $0xffff, v13;
	(v2sf) =	vpush v14, $0xF  }
0x72: {  	v11, _, _ =	vpop (xrf2);
	(xrf2) =	vadd.scan.msk.f32 $0xffff, v12;
	v12 =	vmul.f32 v9, v5  }
0x73: {  	(v2sf) =	vpush v11, $0xF;
	v11, _, _ =	vpop (xrf2);
	(xrf2) =	vadd.scan.msk.f32 $0xffff, v10;
	v10 =	vmul.f32 v9, v4  }
0x74: {  	(v2sf) =	vpush v11, $0xF;
	v11, _, _ =	vpop (xrf2);
	(xrf2) =	vadd.scan.msk.f32 $0xffff, v12  }
0x75: {  	v9 =	vmul.f32 v9, v2;
	(v2sf) =	vpush v11, $0xF;
	v11, _, _ =	vpop (xrf2);
	(xrf2) =	vadd.scan.msk.f32 $0xffff, v10;
	v10 =	vmul.f32 v8, v5;
	_ =	sdelay $0x1  }
0x76: {  	(v2sf) =	vpush v11, $0xF;
	v11, _, _ =	vpop (xrf2);
	(xrf2) =	vadd.scan.msk.f32 $0xffff, v9;
	v9 =	vmul.f32 v8, v4  }
0x77: {  	(v2sf) =	vpush v11, $0xF;
	v11, _, _ =	vpop (xrf2);
	(xrf2) =	vadd.scan.msk.f32 $0xffff, v10  }
0x78: {  	v8 =	vmul.f32 v8, v2;
	v10, _, _ =	vpop (xrf2);
	(xrf2) =	vadd.scan.msk.f32 $0xffff, v9;
	v9 =	vmul.f32 v7, v5  }
0x79: {  	(v2sf) =	vpush v11, $0xF  }
0x7a: {  	(v2sf) =	vpush v10, $0xF;
	v10, _, _ =	vpop (xrf2);
	(xrf2) =	vadd.scan.msk.f32 $0xffff, v8;
	v8 =	vmul.f32 v7, v4  }
0x7b: {  	v7 =	vmul.f32 v7, v2;
	(v2sf) =	vpush v10, $0xF;
	v10, _, _ =	vpop (xrf2);
	(xrf2) =	vadd.scan.msk.f32 $0xffff, v9  }
0x7c: {  	(v2sf) =	vpush v10, $0xF;
	v9, _, _ =	vpop (xrf2);
	(xrf2) =	vadd.scan.msk.f32 $0xffff, v8;
	v8 =	vmul.f32 v6, v5  }
0x7d: {  	(v2sf) =	vpush v9, $0xF;
	v9, _, _ =	vpop (xrf2);
	(xrf2) =	vadd.scan.msk.f32 $0xffff, v7;
	v7 =	vmul.f32 v6, v4;
	s0 =	spop (v2sf)  }
0x7e: {  	(v2sf) =	vpush v9, $0xF;
	v9, _, _ =	vpop (xrf2);
	s0 =	smul.f32 $2.500000000e-01, s0;
	s19 =	spop (v2sf)  }
0x7f: {  	v6 =	vmul.f32 v6, v2;
	(v2sf) =	vpush v9, $0xF;
	s20 =	smul.f32 $2.500000000e-01, s19;
	s2 =	spop (v2sf)  }
0x80: {  	(xrf2) =	vadd.scan.msk.f32 $0xffff, v8;
	v8, _, _ =	vpop (xrf2);
	[dreg:$0x1a] =	wrdreg s0;
	s21 =	smul.f32 $2.500000000e-01, s2  }
0x81: {  	v5 =	vmul.f32 v3, v5;
	(xrf2) =	vadd.scan.msk.f32 $0xffff, v7;
	(v2sf) =	vpush v8, $0xF;
	v7, _, _ =	vpop (xrf2);
	s11 =	spop (v2sf);
	[dreg:$0x1b] =	wrdreg s20  }
0x82: {  	v4 =	vmul.f32 v3, v4;
	v2 =	vmul.f32 v3, v2;
	(xrf2) =	vadd.scan.msk.f32 $0xffff, v6;
	(v2sf) =	vpush v7, $0xF;
	s22 =	smul.f32 $2.500000000e-01, s11;
	s12 =	spop (v2sf)  }
0x83: {  	v6, _, _ =	vpop (xrf2);
	(xrf2) =	vadd.scan.msk.f32 $0xffff, v5;
	[dreg:$0x1c] =	wrdreg s21;
	s30 =	smul.f32 $2.500000000e-01, s12  }
0x84: {  	(v2sf) =	vpush v6, $0xF;
	v3, _, _ =	vpop (xrf2);
	(xrf2) =	vadd.scan.msk.f32 $0xffff, v4;
	s13 =	spop (v2sf);
	[dreg:$0x1d] =	wrdreg s22  }
0x85: {  	(v2sf) =	vpush v3, $0xF;
	v3, _, _ =	vpop (xrf2);
	(xrf2) =	vadd.scan.msk.f32 $0xffff, v2;
	s31 =	smul.f32 $2.500000000e-01, s13;
	s15 =	spop (v2sf)  }
0x86: {  	v2, _, _ =	vpop (xrf2);
	(v2sf) =	vpush v3, $0xF;
	[dreg:$0x1e] =	wrdreg s30;
	s15 =	smul.f32 $2.500000000e-01, s15  }
0x87: {  	s20 =	spop (v2sf);
	v3, _, _ =	vpop (xrf2);
	(v2sf) =	vpush v2, $0xF;
	[dreg:$0x1f] =	wrdreg s31  }
0x88: {  	s20 =	smul.f32 $2.500000000e-01, s20;
	s21 =	spop (v2sf);
	v2, _, _ =	vpop (xrf2);
	(v2sf) =	vpush v3, $0xF  }
0x89: {  	s21 =	smul.f32 $2.500000000e-01, s21;
	v3, _, _ =	vpop (xrf2);
	(v2sf) =	vpush v2, $0xF;
	s19 =	spop (v2sf)  }
0x8a: {  	v2, _, _ =	vpop (xrf2);
	(v2sf) =	vpush v3, $0xF;
	s19 =	smul.f32 $2.500000000e-01, s19;
	s10 =	spop (v2sf)  }
0x8b: {  	v3, _, _ =	vpop (xrf2);
	(v2sf) =	vpush v2, $0xF;
	s12 =	smul.f32 $2.500000000e-01, s10;
	s31 =	spop (v2sf)  }
0x8c: {  	v2, _, _ =	vpop (xrf2);
	(v2sf) =	vpush v3, $0xF;
	s31 =	smul.f32 $2.500000000e-01, s31;
	s30 =	spop (v2sf)  }
0x8d: {  	v3, _, _ =	vpop (xrf2);
	(v2sf) =	vpush v2, $0xF;
	s30 =	smul.f32 $2.500000000e-01, s30;
	s16 =	spop (v2sf)  }
0x8e: {  	v2, _, _ =	vpop (xrf2);
	(v2sf) =	vpush v3, $0xF;
	s16 =	smul.f32 $2.500000000e-01, s16;
	s17 =	spop (v2sf)  }
0x8f: {  	s13 =	rddreg [dreg:$0x1a];
	(v2sf) =	vpush v2, $0xF;
	v2, _, _ =	vpop (xrf2);
	s17 =	smul.f32 $2.500000000e-01, s17  }
0x90: {  	(v2sf) =	vpush v2, $0xF;
	v2 =	vmov s13;
	s13 =	rddreg [dreg:$0x1b];
	s18 =	spop (v2sf)  }
0x91: {  	v3 =	vmov s13;
	s13 =	rddreg [dreg:$0x1c];
	s14 =	spop (v2sf)  }
0x92: {  	s18 =	smul.f32 $2.500000000e-01, s18;
	v4 =	vmov s13;
	s13 =	rddreg [dreg:$0x1d]  }
0x93: {  	s7 =	spop (v2sf);
	s14 =	smul.f32 $2.500000000e-01, s14  }
0x94: {  	[tilespmem:s1+$0x2400] =	vst v1;
	v5 =	vmov s13;
	s13 =	rddreg [dreg:$0x1e];
	s1 =	spop (v2sf)  }
0x95: {  	s7 =	smul.f32 $2.500000000e-01, s7;
	v6 =	vmov s13;
	s13 =	rddreg [dreg:$0x1f]  }
0x96: {  	s2 =	spop (v2sf);
	s11 =	smul.f32 $2.500000000e-01, s1  }
0x97: {  	s22 =	spop (v2sf);
	s2 =	smul.f32 $2.500000000e-01, s2  }
0x98: {  	s10 =	spop (v2sf);
	s22 =	smul.f32 $2.500000000e-01, s22  }
0x99: {  	s1 =	spop (v2sf);
	s10 =	smul.f32 $2.500000000e-01, s10  }
0x9a: {  	s0 =	spop (v2sf);
	s1 =	smul.f32 $2.500000000e-01, s1  }
0x9b: {  	v7 =	vmov s13;
	s13 =	spop (v2sf);
	s0 =	smul.f32 $2.500000000e-01, s0  }
0x9c: {  	v8 =	vmov s15;
	v9 =	vmov s20;
	v10 =	vmov s21;
	s21 =	spop (v2sf);
	s13 =	smul.f32 $2.500000000e-01, s13  }
0x9d: {  	v11 =	vmov s19;
	v12 =	vmov s12;
	v13 =	vmov s31;
	s31 =	spop (v2sf);
	s15 =	smul.f32 $2.500000000e-01, s21  }
0x9e: {  	v14 =	vmov s30;
	v15 =	vmov s16;
	v16 =	vmov s17;
	s17 =	spop (v2sf);
	s12 =	smul.f32 $2.500000000e-01, s31  }
0x9f: {  	v17 =	vmov s18;
	v18 =	vmov s14;
	v19 =	vmov s7;
	s19 =	spop (v2sf);
	s20 =	smul.f32 $2.500000000e-01, s17  }
0xa0: {  	v20 =	vmov s11;
	v21 =	vmov s2;
	v22 =	vmov s22;
	s21 =	smul.f32 $2.500000000e-01, s19;
	s30 =	spop (v2sf)  }
0xa1: {  	v23 =	vmov s10;
	v24 =	vmov s1;
	v25 =	vmov s0;
	s31 =	smul.f32 $2.500000000e-01, s30  }
0xa2: {  	v26 =	vmov s13;
	v27 =	vmov s15;
	v28 =	vmov s12  }
0xa3: {  	s0 =	simm.s32 $0x0;
	v29 =	vmov s20;
	v30 =	vmov s21;
	v31 =	vmov s31  }
.LBB2_4:
0xa4: {  	s1 =	sshra.s32 s0, $0x2  }
0xa5: {  	v32 =	vld [tilespmem:s1+$0x6C00];
	_ =	sdelay $0x4  }
0xa6: {  	v33 =	vadd.s32 v0, v32;
	_ =	sdelay $0x3  }
0xa7: {  	v34 =	vld [tilespmem:s1+$0x4C00]  }
0xa8: {  	v35 =	vld.idx.msk [tilespmem:v33+s23+$0x0], $0xffff  }
0xa9: {  	v33 =	vld.idx.msk [tilespmem:v33+s9+$0x0], $0xffff;
	_ =	sdelay $0x3  }
0xaa: {  	v37 =	vmul.f32 v35, v3  }
0xab: {  	v38 =	vmul.f32 v33, v2;
	v39 =	vmul.f32 v35, v6  }
0xac: {  	v41 =	vmul.f32 v35, v9;
	v42 =	vmul.f32 v35, v12  }
0xad: {  	v40 =	vld [tilespmem:s1+$0x8C00];
	v44 =	vmul.f32 v33, v5;
	v45 =	vmul.f32 v33, v8  }
0xae: {  	v36 =	vld.idx.msk [tilespmem:v34+s9+$0x0], $0xffff;
	v46 =	vmul.f32 v33, v11;
	v52 =	vmul.f32 v35, v15  }
0xaf: {  	v34 =	vld.idx.msk [tilespmem:v34+s23+$0x0], $0xffff;
	v53 =	vmul.f32 v33, v14;
	v54 =	vmul.f32 v35, v24;
	v37 =	vadd.f32 v37, v4  }
0xb0: {  	v43 =	vld [tilespmem:s1+$0xAC00];
	v56 =	vmul.f32 v33, v23;
	v39 =	vadd.f32 v39, v7;
	v41 =	vadd.f32 v41, v10  }
0xb1: {  	v58 =	vmul.f32 v35, v27;
	v42 =	vadd.f32 v42, v13;
	v57 =	vadd.f32 v54, v25  }
0xb2: {  	v59 =	vmul.f32 v35, v18;
	v37 =	vadd.f32 v37, v38;
	v51 =	vadd.f32 v39, v44  }
0xb3: {  	v60 =	vmul.f32 v35, v21;
	v41 =	vadd.f32 v41, v45;
	v42 =	vadd.f32 v42, v46  }
0xb4: {  	v39 =	vadd.f32 v52, v16;
	v37 =	vmul.f32 v37, v36;
	v38 =	vmul.f32 v51, v34  }
0xb5: {  	v44 =	vadd.f32 v58, v28;
	v41 =	vmul.f32 v41, v40;
	v42 =	vmul.f32 v42, v43  }
0xb6: {  	v61 =	vmul.f32 v33, v26;
	v45 =	vadd.f32 v60, v22;
	v39 =	vadd.f32 v39, v53  }
0xb7: {  	v35 =	vmul.f32 v35, v30;
	v37 =	vadd.f32 v38, v37;
	v55 =	vadd.f32 v42, v41  }
0xb8: {  	v63 =	vmul.f32 v33, v20;
	v41 =	vadd.f32 v57, v56;
	v42 =	vadd.f32 v44, v61  }
0xb9: {  	v62 =	vmul.f32 v33, v17;
	v38 =	vadd.f32 v55, v39;
	v39 =	vadd.f32 v59, v19  }
0xba: {  	v33 =	vmul.f32 v33, v29;
	v35 =	vadd.f32 v35, v31;
	v44 =	vadd.f32 v45, v63  }
0xbb: {  	v41 =	vmul.f32 v41, v40;
	v42 =	vmul.f32 v42, v43;
	v39 =	vadd.f32 v39, v62  }
0xbc: {  	v33 =	vadd.f32 v35, v33;
	v37 =	vadd.f32 v38, v37  }
0xbd: {  	v46 =	vmul.f32 v44, v34;
	v47 =	vadd.f32 v42, v41;
	v45 =	vmul.f32 v39, v36  }
0xbe: {  	v37 =	vmul.f32 $1.442695020e+00, v37  }
0xbf: {  	v33 =	vadd.f32 v47, v33;
	v35 =	vadd.f32 v46, v45  }
0xc0: {  	(erf) = vpow2.f32 v37  }
0xc1: {  	v33 =	vadd.f32 v33, v35;
	_ =	sdelay $0x1  }
0xc2: {  	v33 =	vmul.f32 $1.442695020e+00, v33;
	_ =	sdelay $0x1  }
0xc3: {  	(erf) = vpow2.f32 v33;
	_ =	sdelay $0x3  }
0xc4: {  	v48 =	vpop (erf)  }
0xc5: {  	v49 =	vmul.f32 v48, v36  }
0xc6: {  	[tilespmem:v32+s3+$0x0] =	vst.idx.add.f32.msk $0xffff, v48;
	v50 =	vmul.f32 v48, v34  }
0xc7: {  	v51 =	vmul.f32 v48, v40;
	[tilespmem:v32+s4+$0x0] =	vst.idx.add.f32.msk $0xffff, v49  }
0xc8: {  	v33 =	vmul.f32 v48, v43;
	[tilespmem:v32+s5+$0x0] =	vst.idx.add.f32.msk $0xffff, v50  }
0xc9: {  	[tilespmem:v32+s6+$0x0] =	vst.idx.add.f32.msk $0xffff, v51;
	v52 =	vpop (erf)  }
0xca: {  	[tilespmem:v32+s8+$0x0] =	vst.idx.add.f32.msk $0xffff, v33;
	v53 =	vmul.f32 v52, v36  }
0xcb: {  	[tilespmem:v32+s24+$0x0] =	vst.idx.add.f32.msk $0xffff, v52;
	v34 =	vmul.f32 v52, v34  }
0xcc: {  	v54 =	vmul.f32 v52, v40;
	[tilespmem:v32+s25+$0x0] =	vst.idx.add.f32.msk $0xffff, v53  }
0xcd: {  	v55 =	vmul.f32 v52, v43;
	[tilespmem:v32+s26+$0x0] =	vst.idx.add.f32.msk $0xffff, v34  }
0xce: {  	[tilespmem:v32+s28+$0x0] =	vst.idx.add.f32.msk $0xffff, v54  }
0xcf: {  	[tilespmem:v32+s29+$0x0] =	vst.idx.add.f32.msk $0xffff, v55  }
0xd0: {  	v32 =	vld [tilespmem:s1+$0x6C10];
	_ =	sdelay $0x4  }
0xd1: {  	v56 =	vadd.s32 v0, v32;
	_ =	sdelay $0x3  }
0xd2: {  	v34 =	vld [tilespmem:s1+$0x4C10]  }
0xd3: {  	v35 =	vld.idx.msk [tilespmem:v56+s23+$0x0], $0xffff  }
0xd4: {  	v33 =	vld.idx.msk [tilespmem:v56+s9+$0x0], $0xffff;
	_ =	sdelay $0x3  }
0xd5: {  	v57 =	vmul.f32 v35, v3  }
0xd6: {  	v58 =	vmul.f32 v33, v2;
	v59 =	vmul.f32 v35, v6  }
0xd7: {  	v60 =	vmul.f32 v35, v9;
	v61 =	vmul.f32 v35, v12  }
0xd8: {  	v40 =	vld [tilespmem:s1+$0x8C10];
	v62 =	vmul.f32 v33, v5;
	v63 =	vmul.f32 v33, v8  }
0xd9: {  	v36 =	vld.idx.msk [tilespmem:v34+s9+$0x0], $0xffff;
	v48 =	vmul.f32 v33, v11;
	v50 =	vmul.f32 v35, v15  }
0xda: {  	v34 =	vld.idx.msk [tilespmem:v34+s23+$0x0], $0xffff;
	v51 =	vmul.f32 v33, v14;
	v52 =	vmul.f32 v35, v24;
	v37 =	vadd.f32 v57, v4  }
0xdb: {  	v43 =	vld [tilespmem:s1+$0xAC10];
	v54 =	vmul.f32 v33, v23;
	v39 =	vadd.f32 v59, v7;
	v41 =	vadd.f32 v60, v10  }
0xdc: {  	v56 =	vmul.f32 v35, v27;
	v42 =	vadd.f32 v61, v13;
	v55 =	vadd.f32 v52, v25  }
0xdd: {  	v57 =	vmul.f32 v35, v18;
	v37 =	vadd.f32 v37, v58;
	v49 =	vadd.f32 v39, v62  }
0xde: {  	v41 =	vadd.f32 v41, v63;
	v42 =	vadd.f32 v42, v48;
	v58 =	vmul.f32 v35, v21  }
0xdf: {  	v39 =	vadd.f32 v50, v16;
	v37 =	vmul.f32 v37, v36;
	v38 =	vmul.f32 v49, v34  }
0xe0: {  	v44 =	vadd.f32 v56, v28;
	v41 =	vmul.f32 v41, v40;
	v42 =	vmul.f32 v42, v43  }
0xe1: {  	v59 =	vmul.f32 v33, v26;
	v39 =	vadd.f32 v39, v51;
	v45 =	vadd.f32 v58, v22  }
0xe2: {  	v61 =	vmul.f32 v33, v20;
	v37 =	vadd.f32 v38, v37;
	v53 =	vadd.f32 v42, v41  }
0xe3: {  	v35 =	vmul.f32 v35, v30;
	v41 =	vadd.f32 v55, v54;
	v42 =	vadd.f32 v44, v59  }
0xe4: {  	v60 =	vmul.f32 v33, v17;
	v38 =	vadd.f32 v53, v39;
	v39 =	vadd.f32 v57, v19  }
0xe5: {  	v33 =	vmul.f32 v33, v29;
	v35 =	vadd.f32 v35, v31;
	v44 =	vadd.f32 v45, v61  }
0xe6: {  	v41 =	vmul.f32 v41, v40;
	v42 =	vmul.f32 v42, v43;
	v39 =	vadd.f32 v39, v60  }
0xe7: {  	v33 =	vadd.f32 v35, v33;
	v37 =	vadd.f32 v38, v37  }
0xe8: {  	v63 =	vmul.f32 v44, v34;
	v42 =	vadd.f32 v42, v41;
	v62 =	vmul.f32 v39, v36  }
0xe9: {  	v37 =	vmul.f32 $1.442695020e+00, v37  }
0xea: {  	v33 =	vadd.f32 v42, v33;
	v35 =	vadd.f32 v63, v62  }
0xeb: {  	(erf) = vpow2.f32 v37  }
0xec: {  	v33 =	vadd.f32 v33, v35;
	_ =	sdelay $0x1  }
0xed: {  	v33 =	vmul.f32 $1.442695020e+00, v33;
	_ =	sdelay $0x1  }
0xee: {  	(erf) = vpow2.f32 v33;
	_ =	sdelay $0x3  }
0xef: {  	v44 =	vpop (erf)  }
0xf0: {  	v45 =	vmul.f32 v44, v36  }
0xf1: {  	[tilespmem:v32+s3+$0x0] =	vst.idx.add.f32.msk $0xffff, v44;
	v46 =	vmul.f32 v44, v34  }
0xf2: {  	v47 =	vmul.f32 v44, v40;
	[tilespmem:v32+s4+$0x0] =	vst.idx.add.f32.msk $0xffff, v45  }
0xf3: {  	v33 =	vmul.f32 v44, v43;
	[tilespmem:v32+s5+$0x0] =	vst.idx.add.f32.msk $0xffff, v46  }
0xf4: {  	[tilespmem:v32+s6+$0x0] =	vst.idx.add.f32.msk $0xffff, v47;
	v48 =	vpop (erf)  }
0xf5: {  	[tilespmem:v32+s8+$0x0] =	vst.idx.add.f32.msk $0xffff, v33;
	v49 =	vmul.f32 v48, v36  }
0xf6: {  	[tilespmem:v32+s24+$0x0] =	vst.idx.add.f32.msk $0xffff, v48;
	v34 =	vmul.f32 v48, v34  }
0xf7: {  	v50 =	vmul.f32 v48, v40;
	[tilespmem:v32+s25+$0x0] =	vst.idx.add.f32.msk $0xffff, v49  }
0xf8: {  	v51 =	vmul.f32 v48, v43;
	[tilespmem:v32+s26+$0x0] =	vst.idx.add.f32.msk $0xffff, v34  }
0xf9: {  	[tilespmem:v32+s28+$0x0] =	vst.idx.add.f32.msk $0xffff, v50  }
0xfa: {  	[tilespmem:v32+s29+$0x0] =	vst.idx.add.f32.msk $0xffff, v51  }
0xfb: {  	v32 =	vld [tilespmem:s1+$0x6C20];
	_ =	sdelay $0x4  }
0xfc: {  	v52 =	vadd.s32 v0, v32;
	_ =	sdelay $0x3  }
0xfd: {  	v34 =	vld [tilespmem:s1+$0x4C20]  }
0xfe: {  	v35 =	vld.idx.msk [tilespmem:v52+s23+$0x0], $0xffff  }
0xff: {  	v33 =	vld.idx.msk [tilespmem:v52+s9+$0x0], $0xffff;
	_ =	sdelay $0x3  }
0x100: {  	v53 =	vmul.f32 v35, v3  }
0x101: {  	v54 =	vmul.f32 v33, v2;
	v55 =	vmul.f32 v35, v6  }
0x102: {  	v56 =	vmul.f32 v35, v9;
	v57 =	vmul.f32 v35, v12  }
0x103: {  	v40 =	vld [tilespmem:s1+$0x8C20];
	v58 =	vmul.f32 v33, v5;
	v59 =	vmul.f32 v33, v8  }
0x104: {  	v36 =	vld.idx.msk [tilespmem:v34+s9+$0x0], $0xffff;
	v60 =	vmul.f32 v33, v11;
	v62 =	vmul.f32 v35, v15  }
0x105: {  	v34 =	vld.idx.msk [tilespmem:v34+s23+$0x0], $0xffff;
	v63 =	vmul.f32 v33, v14;
	v48 =	vmul.f32 v35, v24;
	v37 =	vadd.f32 v53, v4  }
0x106: {  	v43 =	vld [tilespmem:s1+$0xAC20];
	v50 =	vmul.f32 v33, v23;
	v39 =	vadd.f32 v55, v7;
	v41 =	vadd.f32 v56, v10  }
0x107: {  	v52 =	vmul.f32 v35, v27;
	v42 =	vadd.f32 v57, v13;
	v51 =	vadd.f32 v48, v25  }
0x108: {  	v53 =	vmul.f32 v35, v18;
	v37 =	vadd.f32 v37, v54;
	v61 =	vadd.f32 v39, v58  }
0x109: {  	v41 =	vadd.f32 v41, v59;
	v42 =	vadd.f32 v42, v60;
	v54 =	vmul.f32 v35, v21  }
0x10a: {  	v39 =	vadd.f32 v62, v16;
	v37 =	vmul.f32 v37, v36;
	v38 =	vmul.f32 v61, v34  }
0x10b: {  	v44 =	vadd.f32 v52, v28;
	v41 =	vmul.f32 v41, v40;
	v42 =	vmul.f32 v42, v43  }
0x10c: {  	v55 =	vmul.f32 v33, v26;
	v39 =	vadd.f32 v39, v63;
	v45 =	vadd.f32 v54, v22  }
0x10d: {  	v57 =	vmul.f32 v33, v20;
	v37 =	vadd.f32 v38, v37;
	v49 =	vadd.f32 v42, v41  }
0x10e: {  	v35 =	vmul.f32 v35, v30;
	v41 =	vadd.f32 v51, v50;
	v42 =	vadd.f32 v44, v55  }
0x10f: {  	v56 =	vmul.f32 v33, v17;
	v38 =	vadd.f32 v49, v39;
	v39 =	vadd.f32 v53, v19  }
0x110: {  	v33 =	vmul.f32 v33, v29;
	v35 =	vadd.f32 v35, v31;
	v44 =	vadd.f32 v45, v57  }
0x111: {  	v41 =	vmul.f32 v41, v40;
	v42 =	vmul.f32 v42, v43;
	v39 =	vadd.f32 v39, v56  }
0x112: {  	v33 =	vadd.f32 v35, v33;
	v37 =	vadd.f32 v38, v37  }
0x113: {  	v59 =	vmul.f32 v44, v34;
	v60 =	vadd.f32 v42, v41;
	v58 =	vmul.f32 v39, v36  }
0x114: {  	v37 =	vmul.f32 $1.442695020e+00, v37  }
0x115: {  	v33 =	vadd.f32 v60, v33;
	v35 =	vadd.f32 v59, v58  }
0x116: {  	(erf) = vpow2.f32 v37  }
0x117: {  	v33 =	vadd.f32 v33, v35;
	_ =	sdelay $0x1  }
0x118: {  	v33 =	vmul.f32 $1.442695020e+00, v33;
	_ =	sdelay $0x1  }
0x119: {  	(erf) = vpow2.f32 v33;
	_ =	sdelay $0x3  }
0x11a: {  	v61 =	vpop (erf)  }
0x11b: {  	v62 =	vmul.f32 v61, v36  }
0x11c: {  	[tilespmem:v32+s3+$0x0] =	vst.idx.add.f32.msk $0xffff, v61;
	v63 =	vmul.f32 v61, v34  }
0x11d: {  	v41 =	vmul.f32 v61, v40;
	[tilespmem:v32+s4+$0x0] =	vst.idx.add.f32.msk $0xffff, v62  }
0x11e: {  	v33 =	vmul.f32 v61, v43;
	[tilespmem:v32+s5+$0x0] =	vst.idx.add.f32.msk $0xffff, v63  }
0x11f: {  	[tilespmem:v32+s6+$0x0] =	vst.idx.add.f32.msk $0xffff, v41;
	v42 =	vpop (erf)  }
0x120: {  	[tilespmem:v32+s8+$0x0] =	vst.idx.add.f32.msk $0xffff, v33;
	v44 =	vmul.f32 v42, v36  }
0x121: {  	[tilespmem:v32+s24+$0x0] =	vst.idx.add.f32.msk $0xffff, v42;
	v34 =	vmul.f32 v42, v34  }
0x122: {  	v45 =	vmul.f32 v42, v40;
	[tilespmem:v32+s25+$0x0] =	vst.idx.add.f32.msk $0xffff, v44  }
0x123: {  	v46 =	vmul.f32 v42, v43;
	[tilespmem:v32+s26+$0x0] =	vst.idx.add.f32.msk $0xffff, v34  }
0x124: {  	[tilespmem:v32+s28+$0x0] =	vst.idx.add.f32.msk $0xffff, v45  }
0x125: {  	[tilespmem:v32+s29+$0x0] =	vst.idx.add.f32.msk $0xffff, v46  }
0x126: {  	v32 =	vld [tilespmem:s1+$0x6C30];
	_ =	sdelay $0x4  }
0x127: {  	v47 =	vadd.s32 v0, v32;
	_ =	sdelay $0x3  }
0x128: {  	v34 =	vld [tilespmem:s1+$0x4C30]  }
0x129: {  	v35 =	vld.idx.msk [tilespmem:v47+s23+$0x0], $0xffff  }
0x12a: {  	v33 =	vld.idx.msk [tilespmem:v47+s9+$0x0], $0xffff;
	_ =	sdelay $0x3  }
0x12b: {  	v48 =	vmul.f32 v35, v3  }
0x12c: {  	v49 =	vmul.f32 v33, v2;
	v50 =	vmul.f32 v35, v6  }
0x12d: {  	v51 =	vmul.f32 v35, v9;
	v52 =	vmul.f32 v35, v12  }
0x12e: {  	v40 =	vld [tilespmem:s1+$0x8C30];
	v53 =	vmul.f32 v33, v5;
	v54 =	vmul.f32 v33, v8  }
0x12f: {  	v36 =	vld.idx.msk [tilespmem:v34+s9+$0x0], $0xffff;
	v55 =	vmul.f32 v33, v11;
	v57 =	vmul.f32 v35, v15  }
0x130: {  	v34 =	vld.idx.msk [tilespmem:v34+s23+$0x0], $0xffff;
	v58 =	vmul.f32 v33, v14;
	v59 =	vmul.f32 v35, v24;
	v37 =	vadd.f32 v48, v4  }
0x131: {  	v43 =	vld [tilespmem:s1+$0xAC30];
	v61 =	vmul.f32 v33, v23;
	v39 =	vadd.f32 v50, v7;
	v41 =	vadd.f32 v51, v10  }
0x132: {  	v63 =	vmul.f32 v35, v27;
	v42 =	vadd.f32 v52, v13;
	v62 =	vadd.f32 v59, v25  }
0x133: {  	v48 =	vmul.f32 v35, v18;
	v37 =	vadd.f32 v37, v49;
	v56 =	vadd.f32 v39, v53  }
0x134: {  	v41 =	vadd.f32 v41, v54;
	v42 =	vadd.f32 v42, v55;
	v49 =	vmul.f32 v35, v21  }
0x135: {  	v39 =	vadd.f32 v57, v16;
	v37 =	vmul.f32 v37, v36;
	v38 =	vmul.f32 v56, v34  }
0x136: {  	v44 =	vadd.f32 v63, v28;
	v41 =	vmul.f32 v41, v40;
	v42 =	vmul.f32 v42, v43  }
0x137: {  	v50 =	vmul.f32 v33, v26;
	v39 =	vadd.f32 v39, v58;
	v45 =	vadd.f32 v49, v22  }
0x138: {  	v52 =	vmul.f32 v33, v20;
	v37 =	vadd.f32 v38, v37;
	v60 =	vadd.f32 v42, v41  }
0x139: {  	v35 =	vmul.f32 v35, v30;
	v41 =	vadd.f32 v62, v61;
	v42 =	vadd.f32 v44, v50  }
0x13a: {  	v51 =	vmul.f32 v33, v17;
	v38 =	vadd.f32 v60, v39;
	v39 =	vadd.f32 v48, v19  }
0x13b: {  	v33 =	vmul.f32 v33, v29;
	v35 =	vadd.f32 v35, v31;
	v44 =	vadd.f32 v45, v52  }
0x13c: {  	v41 =	vmul.f32 v41, v40;
	v42 =	vmul.f32 v42, v43;
	v39 =	vadd.f32 v39, v51  }
0x13d: {  	v33 =	vadd.f32 v35, v33;
	v37 =	vadd.f32 v38, v37  }
0x13e: {  	v54 =	vmul.f32 v44, v34;
	v55 =	vadd.f32 v42, v41;
	v53 =	vmul.f32 v39, v36  }
0x13f: {  	v37 =	vmul.f32 $1.442695020e+00, v37  }
0x140: {  	v33 =	vadd.f32 v55, v33;
	v35 =	vadd.f32 v54, v53  }
0x141: {  	(erf) = vpow2.f32 v37  }
0x142: {  	v33 =	vadd.f32 v33, v35;
	_ =	sdelay $0x1  }
0x143: {  	v33 =	vmul.f32 $1.442695020e+00, v33;
	_ =	sdelay $0x1  }
0x144: {  	(erf) = vpow2.f32 v33;
	_ =	sdelay $0x3  }
0x145: {  	v56 =	vpop (erf)  }
0x146: {  	v57 =	vmul.f32 v56, v36  }
0x147: {  	[tilespmem:v32+s3+$0x0] =	vst.idx.add.f32.msk $0xffff, v56;
	v58 =	vmul.f32 v56, v34  }
0x148: {  	v59 =	vmul.f32 v56, v40;
	[tilespmem:v32+s4+$0x0] =	vst.idx.add.f32.msk $0xffff, v57  }
0x149: {  	v33 =	vmul.f32 v56, v43;
	[tilespmem:v32+s5+$0x0] =	vst.idx.add.f32.msk $0xffff, v58  }
0x14a: {  	[tilespmem:v32+s6+$0x0] =	vst.idx.add.f32.msk $0xffff, v59;
	v60 =	vpop (erf)  }
0x14b: {  	p0 =	sne.s32 s0, $0x7F00;
	[tilespmem:v32+s8+$0x0] =	vst.idx.add.f32.msk $0xffff, v33;
	v61 =	vmul.f32 v60, v36  }
.Ltmp1:
0x14c: {  	[tilespmem:v32+s24+$0x0] =	vst.idx.add.f32.msk $0xffff, v60;
	v34 =	vmul.f32 v60, v34;
	(pc) =	sbr.rel @p0 .LBB2_4-.Ltmp1, $4  }
0x14d: {  	v62 =	vmul.f32 v60, v40;
	[tilespmem:v32+s25+$0x0] =	vst.idx.add.f32.msk $0xffff, v61  }
0x14e: {  	v63 =	vmul.f32 v60, v43;
	[tilespmem:v32+s26+$0x0] =	vst.idx.add.f32.msk $0xffff, v34  }
0x14f: {  	[tilespmem:v32+s28+$0x0] =	vst.idx.add.f32.msk $0xffff, v62  }
0x150: {  	s0 =	sadd.s32 $0x100, s0;
	[tilespmem:v32+s29+$0x0] =	vst.idx.add.f32.msk $0xffff, v63  }
0x151: {  	s0 =	rddreg [dreg:$0x17]  }
0x152: {  	s7 =	simm.s32 $0x80;
	s1 =	simm.s32 $0x400;
	s2 =	simm.s32 $0x1  }
0x153: {  	[hbm4b:s0+s7] =	stream.strided.scatter [tilespmem:s3], [sflag:$0x1], $0x2800, s1, s7, $0x38;
	[tilespmem:$0xCC00] =	vst v63  }
0x154: {  	_ =	swait.ge [sflag:s2], $0x2800  }
0x155: {  	s30 =	rddreg [dreg:$0x19]  }
0x156: {  	s31 =	rddreg [dreg:$0x18];
	s1 =	sadd.s32 $0x1, s30  }
0x157: {  	p0 =	sne.s32 s1, s31  }
.Ltmp2:
0x158: {  	_ = 	snop;
	(pc) =	sbr.rel @p0 .LBB2_1-.Ltmp2, $3  }
0x159: {  	_ =	sdelay $0x1  }
0x15a: {  	[sflag:s2] =	ssyncset.done $0x0  }
0x15b: {  	[sflag:s2] =	ssyncadd.s32 $0xFFFFD800  }
0x15c: {  	_ =	sfence.sel $0x180000  }
0x15d: {  	[bflag:$0x0] =	sbarrier.arrive $0xFFFF  }
0x15e: {  	_ =	strace $0x90000047  }
0x15f: {  	s0 =	stileid.u32;
	[bflag:$0x2] =	sbarrier.arrive $0xFFFF  }
0x160: {  	p0 =	sne.s32 s0, $0x0;
	s0 =	rddreg [dreg:$0xc]  }
0x161: {  	s0 =	sadd.s32 @!p0 $0x100000, s0  }
0x162: {  	[sflag:s0] =	ssyncadd.tile.s32 @!p0 $0x1;
	_ =	shalt  }
.Lfunc_end2:
_tile_overlayer_lowered:
.L_overlay_start_2:
0x163: {  	(tag) =	ssettag $0x2  }
0x164: {  	s0 =	rddreg [dreg:$0x0];
	s2 =	stileid.u32  }
0x165: {  	s1 =	rddreg [dreg:$0x1];
	p0 =	sne.s32 s2, $0x0  }
0x166: {  	s3 =	rddreg [dreg:$0x2];
	[bflag:$0x3] =	sbarrier.arrive $0xFFFF;
	s2 =	simm.s32 @!p0 $0x1C01  }
0x167: {  	[timem:s3], [sflag:s2] =	dma.local @!p0 [hbm:s0], s1  }
0x168: {  	s0 =	simm.s32 @!p0 $0x1  }
0x169: {  	_ =	swait.ge @!p0 [sflag:s0], s1  }
0x16a: {  	s1 =	ssub.s32 @!p0 $0x0, s1;
	[sflag:s0] =	ssyncset.done @!p0 $0x0  }
0x16b: {  	[sflag:s0] =	ssyncadd.s32 @!p0 s1  }
0x16c: {  	[bflag:$0x3] =	sbarrier.arrive $0xFFFF  }
0x16d: {  	_ =	shalt  }

</sc_bundles>
